<compile_context>
chip_gen: v7x
topology: tpu7x:2x2x1
jax: 0.10.2.dev20260603
libtpu: 0.0.44.dev20260713+nightly
codegen_flags: <defaults>
</compile_context>

<pallas_src>
import functools

import jax
import jax.numpy as jnp
from jax import lax
from jax.experimental import pallas as pl
from jax.experimental.pallas import tpu as pltpu
from jax.experimental.pallas import tpu_sc as plsc

HIDDEN = 64
GAMMA = 12.0
BATCH = 16384
NC, NS, L = 2, 16, 16
NW = NC * NS
BPW = BATCH // NW
CH = 128
NCHUNK = BPW // CH


def _make_sc_kernel():
    mesh = plsc.VectorSubcoreMesh(
        core_axis_name="c", subcore_axis_name="s",
        num_cores=NC, num_subcores=NS,
    )

    @functools.partial(
        pl.kernel,
        out_type=jax.ShapeDtypeStruct((BATCH,), jnp.float32),
        mesh=mesh,
        compiler_params=pltpu.CompilerParams(
            needs_layout_passes=False,
            use_tc_tiling_on_sc=False,
        ),
        scratch_types=[
            pltpu.VMEM((BPW,), jnp.int32),
            pltpu.VMEM((BPW,), jnp.int32),
            pltpu.VMEM((BPW,), jnp.int32),
            pltpu.VMEM((BPW,), jnp.int32),
            pltpu.VMEM((BPW,), jnp.int32),
            pltpu.VMEM((BPW,), jnp.int32),
            pltpu.VMEM((2, CH, 2 * HIDDEN), jnp.float32),
            pltpu.VMEM((2, CH, 2 * HIDDEN), jnp.float32),
            pltpu.VMEM((2, CH, 2 * HIDDEN), jnp.float32),
            pltpu.VMEM((BPW, L), jnp.float32),
            pltpu.VMEM((BPW,), jnp.float32),
            pltpu.SemaphoreType.DMA,
            pltpu.SemaphoreType.DMA,
        ],
    )
    def ker(hp_hbm, rp_hbm, tp_hbm, hoff_hbm, roff_hbm, toff_hbm,
            ent2_hbm, rel2_hbm, out_hbm,
            hp, rp, tp, hpar, rpar, tpar,
            hrow, rrow, trow, psum, scores, sem0, sem1):
        wid = lax.axis_index("s") * NC + lax.axis_index("c")
        base = wid * BPW

        pltpu.sync_copy(hp_hbm.at[pl.ds(base, BPW)], hp)
        pltpu.sync_copy(rp_hbm.at[pl.ds(base, BPW)], rp)
        pltpu.sync_copy(tp_hbm.at[pl.ds(base, BPW)], tp)
        pltpu.sync_copy(hoff_hbm.at[pl.ds(base, BPW)], hpar)
        pltpu.sync_copy(roff_hbm.at[pl.ds(base, BPW)], rpar)
        pltpu.sync_copy(toff_hbm.at[pl.ds(base, BPW)], tpar)

        sems = (sem0, sem1)

        def fire(c):
            slot = c % 2
            s = sems[slot]
            idx = pl.ds(c * CH, CH)
            return (
                pltpu.async_copy(ent2_hbm.at[hp.at[idx]], hrow.at[slot], s),
                pltpu.async_copy(rel2_hbm.at[rp.at[idx]], rrow.at[slot], s),
                pltpu.async_copy(ent2_hbm.at[tp.at[idx]], trow.at[slot], s),
            )

        pending = {0: fire(0), 1: fire(1)}

        for c in range(NCHUNK):
            for cp in pending.pop(c):
                cp.wait()
            slot = c % 2

            def row_body(j, carry, slot=slot, cbase=c * CH):
                b = cbase + j
                bs = jnp.full((L,), b, jnp.int32)
                mh = plsc.load_gather(hpar, [bs]) != 0
                mr = plsc.load_gather(rpar, [bs]) != 0
                mt = plsc.load_gather(tpar, [bs]) != 0
                p = None
                for k in range(HIDDEN // L):
                    h = jnp.where(mh, hrow[slot, j, pl.ds(HIDDEN + k * L, L)],
                                  hrow[slot, j, pl.ds(k * L, L)])
                    r = jnp.where(mr, rrow[slot, j, pl.ds(HIDDEN + k * L, L)],
                                  rrow[slot, j, pl.ds(k * L, L)])
                    t = jnp.where(mt, trow[slot, j, pl.ds(HIDDEN + k * L, L)],
                                  trow[slot, j, pl.ds(k * L, L)])
                    a = jnp.abs((h + r) - t)
                    p = a if p is None else p + a
                psum[b, :] = plsc.cumsum(p)
                return carry

            lax.fori_loop(0, CH, row_body, 0)
            if c + 2 < NCHUNK:
                pending[c + 2] = fire(c + 2)

        iot = lax.iota(jnp.int32, L)
        c15 = jnp.full((L,), L - 1, jnp.int32)
        for g in range(BPW // L):
            s = plsc.load_gather(psum, [iot + (g * L), c15])
            scores[pl.ds(g * L, L)] = GAMMA - s

        pltpu.sync_copy(scores, out_hbm.at[pl.ds(base, BPW)])

    return ker


TW = 32768


def _tc_transpose_pairs(table_t):
    n = table_t.shape[1]
    grid = (n + TW - 1) // TW
    half = TW // 2

    def body(x_ref, o_ref):
        t = x_ref[...].T
        o_ref[...] = jnp.concatenate(
            [t[:half, :], t[half:, :]], axis=1)

    return pl.pallas_call(
        body,
        grid=(grid,),
        in_specs=[pl.BlockSpec((HIDDEN, TW), lambda j: (0, j))],
        out_specs=pl.BlockSpec((half, 2 * HIDDEN), lambda j: (j, 0)),
        out_shape=jax.ShapeDtypeStruct((grid * half, 2 * HIDDEN), jnp.float32),
        compiler_params=pltpu.CompilerParams(
            vmem_limit_bytes=128 * 1024 * 1024),
    )(table_t)


def kernel(sample, entity_embedding, relation_embedding):
    h_id = sample[:, 0]
    r_id = sample[:, 1]
    t_id = sample[:, 2]
    half = TW // 2

    def pair_idx(e):
        return ((e // TW) * half + (e % half)).reshape(-1)

    def parity(e):
        return ((e % TW) // half).reshape(-1)

    hp, rp, tp = pair_idx(h_id), pair_idx(r_id), pair_idx(t_id)
    hoff, roff, toff = parity(h_id), parity(r_id), parity(t_id)
    ent2 = _tc_transpose_pairs(entity_embedding.T)
    rel2 = _tc_transpose_pairs(relation_embedding.T)
    score = _make_sc_kernel()(hp, rp, tp, hoff, roff, toff, ent2, rel2)
    return score[:, None]

# --- scband reference (transcript-rebuilt; emitter-appended) ---
"""Pipeline reference for scband-kgemodel-618475290728 (READ-ONLY COPY).

The authoritative reference and input builder live on the scoring server;
editing this copy changes nothing except your own understanding.
"""

import jax, jax.numpy as jnp
import numpy as np

NENTITY = 1000000
NRELATION = 1000000
HIDDEN_DIM = 64
GAMMA = 12.0
EPSILON = 2.0
EMB_RANGE = (GAMMA + EPSILON) / HIDDEN_DIM
BATCH = 16384


def setup_inputs(seed: int = 0) -> dict:
    key = jax.random.key(seed)
    k1, k2, k3 = jax.random.split(key, 3)
    sample = jax.random.randint(k1, (BATCH, 3), 0, NENTITY, dtype=jnp.int64 if jax.config.jax_enable_x64 else jnp.int32)
    entity_embedding = jax.random.uniform(k2, (NENTITY, HIDDEN_DIM), dtype=jnp.float32, minval=-EMB_RANGE, maxval=EMB_RANGE)
    relation_embedding = jax.random.uniform(k3, (NRELATION, HIDDEN_DIM), dtype=jnp.float32, minval=-EMB_RANGE, maxval=EMB_RANGE)
    return {"sample": sample, "entity_embedding": entity_embedding, "relation_embedding": relation_embedding}


def reference(sample, entity_embedding, relation_embedding):
    # KGEModel.forward with mode='single', model_name='TransE', ss_torch_index=None
    head = jnp.take(entity_embedding, sample[:, 0], axis=0)[:, None, :]      # [B, 1, D]
    relation = jnp.take(relation_embedding, sample[:, 1], axis=0)[:, None, :]  # [B, 1, D]
    tail = jnp.take(entity_embedding, sample[:, 2], axis=0)[:, None, :]      # [B, 1, D]
    score = head + relation - tail
    score = GAMMA - jnp.sum(jnp.abs(score), axis=2)  # L1 norm over dim=2 -> [B, 1]
    return score

if __name__ == "__main__":
    import jax
    _d = setup_inputs()
    print(jax.jit(kernel)(*tuple(_d.values())))

</pallas_src>

<mosaic_0001>
#map = affine_map<(d0, d1) -> (0)>
#map1 = affine_map<(d0, d1) -> (0, 0)>
module attributes {stable_mosaic.version = 14 : i64} {
  func.func @ker(%arg0: i32, %arg1: i32, %arg2: memref<16384xi32, #tpu.memory_space<hbm>>, %arg3: memref<16384xi32, #tpu.memory_space<hbm>>, %arg4: memref<16384xi32, #tpu.memory_space<hbm>>, %arg5: memref<16384xi32, #tpu.memory_space<hbm>>, %arg6: memref<16384xi32, #tpu.memory_space<hbm>>, %arg7: memref<16384xi32, #tpu.memory_space<hbm>>, %arg8: memref<507904x128xf32, #tpu.memory_space<hbm>>, %arg9: memref<507904x128xf32, #tpu.memory_space<hbm>>, %arg10: memref<16384xf32, #tpu.memory_space<hbm>>, %arg11: memref<512xi32, #tpu.memory_space<vmem>>, %arg12: memref<512xi32, #tpu.memory_space<vmem>>, %arg13: memref<512xi32, #tpu.memory_space<vmem>>, %arg14: memref<512xi32, #tpu.memory_space<vmem>>, %arg15: memref<512xi32, #tpu.memory_space<vmem>>, %arg16: memref<512xi32, #tpu.memory_space<vmem>>, %arg17: memref<2x128x128xf32, #tpu.memory_space<vmem>>, %arg18: memref<2x128x128xf32, #tpu.memory_space<vmem>>, %arg19: memref<2x128x128xf32, #tpu.memory_space<vmem>>, %arg20: memref<512x16xf32, #tpu.memory_space<vmem>>, %arg21: memref<512xf32, #tpu.memory_space<vmem>>, %arg22: memref<!tpu.dma_semaphore, #tpu.memory_space<semaphore_mem>>, %arg23: memref<!tpu.dma_semaphore, #tpu.memory_space<semaphore_mem>>) attributes {dimension_semantics = [#tpu.dimension_semantics<core_parallel>, #tpu.dimension_semantics<subcore_parallel>], iteration_bounds = array<i64: 2, 16>, scalar_prefetch = 0 : i64, scratch_operands = 13 : i64, tpu.core_type = #tpu.core_type<sc_vector_subcore>, window_params = [{transform_indices = #map}, {transform_indices = #map}, {transform_indices = #map}, {transform_indices = #map}, {transform_indices = #map}, {transform_indices = #map}, {transform_indices = #map1}, {transform_indices = #map1}, {transform_indices = #map}]} {
    %mul3A = arith.constant 2 : i32
    %mul3A_0 = arith.muli %arg1, %mul3A : i32
    %add3A = arith.addi %mul3A_0, %arg0 : i32
    %mul3A_1 = arith.constant 512 : i32
    %mul3A_2 = arith.muli %add3A, %mul3A_1 : i32
    "tpu.region"() ({
      %run_scoped3A = tpu.sem_alloc : memref<!tpu.dma_semaphore, #tpu.memory_space<semaphore_mem>>
      %dma_start3A_550 = tpu.memref_slice %arg2[%mul3A_2] : memref<16384xi32, #tpu.memory_space<hbm>> -> memref<512xi32, #tpu.memory_space<hbm>>
      %dma_start3A_551 = tpu.memref_slice %arg2[%mul3A_2] : memref<16384xi32, #tpu.memory_space<hbm>> -> memref<512xi32, #tpu.memory_space<hbm>>
      tpu.enqueue_dma source(%dma_start3A_551 : memref<512xi32, #tpu.memory_space<hbm>>) target(%arg11 : memref<512xi32, #tpu.memory_space<vmem>>) target_semaphore(%run_scoped3A : memref<!tpu.dma_semaphore, #tpu.memory_space<semaphore_mem>>)
      %dma_wait3A_552 = tpu.memref_slice %arg2[%mul3A_2] : memref<16384xi32, #tpu.memory_space<hbm>> -> memref<512xi32, #tpu.memory_space<hbm>>
      %dma_wait3A_553 = tpu.memref_slice %arg2[%mul3A_2] : memref<16384xi32, #tpu.memory_space<hbm>> -> memref<512xi32, #tpu.memory_space<hbm>>
      tpu.wait_dma2 semaphore(%run_scoped3A : memref<!tpu.dma_semaphore, #tpu.memory_space<semaphore_mem>>) src(%dma_wait3A_553 : memref<512xi32, #tpu.memory_space<hbm>>) dst(%arg11 : memref<512xi32, #tpu.memory_space<vmem>>)
      tpu.yield
    }) : () -> ()
    "tpu.region"() ({
      %run_scoped3A = tpu.sem_alloc : memref<!tpu.dma_semaphore, #tpu.memory_space<semaphore_mem>>
      %dma_start3A_550 = tpu.memref_slice %arg3[%mul3A_2] : memref<16384xi32, #tpu.memory_space<hbm>> -> memref<512xi32, #tpu.memory_space<hbm>>
      %dma_start3A_551 = tpu.memref_slice %arg3[%mul3A_2] : memref<16384xi32, #tpu.memory_space<hbm>> -> memref<512xi32, #tpu.memory_space<hbm>>
      tpu.enqueue_dma source(%dma_start3A_551 : memref<512xi32, #tpu.memory_space<hbm>>) target(%arg12 : memref<512xi32, #tpu.memory_space<vmem>>) target_semaphore(%run_scoped3A : memref<!tpu.dma_semaphore, #tpu.memory_space<semaphore_mem>>)
      %dma_wait3A_552 = tpu.memref_slice %arg3[%mul3A_2] : memref<16384xi32, #tpu.memory_space<hbm>> -> memref<512xi32, #tpu.memory_space<hbm>>
      %dma_wait3A_553 = tpu.memref_slice %arg3[%mul3A_2] : memref<16384xi32, #tpu.memory_space<hbm>> -> memref<512xi32, #tpu.memory_space<hbm>>
      tpu.wait_dma2 semaphore(%run_scoped3A : memref<!tpu.dma_semaphore, #tpu.memory_space<semaphore_mem>>) src(%dma_wait3A_553 : memref<512xi32, #tpu.memory_space<hbm>>) dst(%arg12 : memref<512xi32, #tpu.memory_space<vmem>>)
      tpu.yield
    }) : () -> ()
    "tpu.region"() ({
      %run_scoped3A = tpu.sem_alloc : memref<!tpu.dma_semaphore, #tpu.memory_space<semaphore_mem>>
      %dma_start3A_550 = tpu.memref_slice %arg4[%mul3A_2] : memref<16384xi32, #tpu.memory_space<hbm>> -> memref<512xi32, #tpu.memory_space<hbm>>
      %dma_start3A_551 = tpu.memref_slice %arg4[%mul3A_2] : memref<16384xi32, #tpu.memory_space<hbm>> -> memref<512xi32, #tpu.memory_space<hbm>>
      tpu.enqueue_dma source(%dma_start3A_551 : memref<512xi32, #tpu.memory_space<hbm>>) target(%arg13 : memref<512xi32, #tpu.memory_space<vmem>>) target_semaphore(%run_scoped3A : memref<!tpu.dma_semaphore, #tpu.memory_space<semaphore_mem>>)
      %dma_wait3A_552 = tpu.memref_slice %arg4[%mul3A_2] : memref<16384xi32, #tpu.memory_space<hbm>> -> memref<512xi32, #tpu.memory_space<hbm>>
      %dma_wait3A_553 = tpu.memref_slice %arg4[%mul3A_2] : memref<16384xi32, #tpu.memory_space<hbm>> -> memref<512xi32, #tpu.memory_space<hbm>>
      tpu.wait_dma2 semaphore(%run_scoped3A : memref<!tpu.dma_semaphore, #tpu.memory_space<semaphore_mem>>) src(%dma_wait3A_553 : memref<512xi32, #tpu.memory_space<hbm>>) dst(%arg13 : memref<512xi32, #tpu.memory_space<vmem>>)
      tpu.yield
    }) : () -> ()
    "tpu.region"() ({
      %run_scoped3A = tpu.sem_alloc : memref<!tpu.dma_semaphore, #tpu.memory_space<semaphore_mem>>
      %dma_start3A_550 = tpu.memref_slice %arg5[%mul3A_2] : memref<16384xi32, #tpu.memory_space<hbm>> -> memref<512xi32, #tpu.memory_space<hbm>>
      %dma_start3A_551 = tpu.memref_slice %arg5[%mul3A_2] : memref<16384xi32, #tpu.memory_space<hbm>> -> memref<512xi32, #tpu.memory_space<hbm>>
      tpu.enqueue_dma source(%dma_start3A_551 : memref<512xi32, #tpu.memory_space<hbm>>) target(%arg14 : memref<512xi32, #tpu.memory_space<vmem>>) target_semaphore(%run_scoped3A : memref<!tpu.dma_semaphore, #tpu.memory_space<semaphore_mem>>)
      %dma_wait3A_552 = tpu.memref_slice %arg5[%mul3A_2] : memref<16384xi32, #tpu.memory_space<hbm>> -> memref<512xi32, #tpu.memory_space<hbm>>
      %dma_wait3A_553 = tpu.memref_slice %arg5[%mul3A_2] : memref<16384xi32, #tpu.memory_space<hbm>> -> memref<512xi32, #tpu.memory_space<hbm>>
      tpu.wait_dma2 semaphore(%run_scoped3A : memref<!tpu.dma_semaphore, #tpu.memory_space<semaphore_mem>>) src(%dma_wait3A_553 : memref<512xi32, #tpu.memory_space<hbm>>) dst(%arg14 : memref<512xi32, #tpu.memory_space<vmem>>)
      tpu.yield
    }) : () -> ()
    "tpu.region"() ({
      %run_scoped3A = tpu.sem_alloc : memref<!tpu.dma_semaphore, #tpu.memory_space<semaphore_mem>>
      %dma_start3A_550 = tpu.memref_slice %arg6[%mul3A_2] : memref<16384xi32, #tpu.memory_space<hbm>> -> memref<512xi32, #tpu.memory_space<hbm>>
      %dma_start3A_551 = tpu.memref_slice %arg6[%mul3A_2] : memref<16384xi32, #tpu.memory_space<hbm>> -> memref<512xi32, #tpu.memory_space<hbm>>
      tpu.enqueue_dma source(%dma_start3A_551 : memref<512xi32, #tpu.memory_space<hbm>>) target(%arg15 : memref<512xi32, #tpu.memory_space<vmem>>) target_semaphore(%run_scoped3A : memref<!tpu.dma_semaphore, #tpu.memory_space<semaphore_mem>>)
      %dma_wait3A_552 = tpu.memref_slice %arg6[%mul3A_2] : memref<16384xi32, #tpu.memory_space<hbm>> -> memref<512xi32, #tpu.memory_space<hbm>>
      %dma_wait3A_553 = tpu.memref_slice %arg6[%mul3A_2] : memref<16384xi32, #tpu.memory_space<hbm>> -> memref<512xi32, #tpu.memory_space<hbm>>
      tpu.wait_dma2 semaphore(%run_scoped3A : memref<!tpu.dma_semaphore, #tpu.memory_space<semaphore_mem>>) src(%dma_wait3A_553 : memref<512xi32, #tpu.memory_space<hbm>>) dst(%arg15 : memref<512xi32, #tpu.memory_space<vmem>>)
      tpu.yield
    }) : () -> ()
    "tpu.region"() ({
      %run_scoped3A = tpu.sem_alloc : memref<!tpu.dma_semaphore, #tpu.memory_space<semaphore_mem>>
      %dma_start3A_550 = tpu.memref_slice %arg7[%mul3A_2] : memref<16384xi32, #tpu.memory_space<hbm>> -> memref<512xi32, #tpu.memory_space<hbm>>
      %dma_start3A_551 = tpu.memref_slice %arg7[%mul3A_2] : memref<16384xi32, #tpu.memory_space<hbm>> -> memref<512xi32, #tpu.memory_space<hbm>>
      tpu.enqueue_dma source(%dma_start3A_551 : memref<512xi32, #tpu.memory_space<hbm>>) target(%arg16 : memref<512xi32, #tpu.memory_space<vmem>>) target_semaphore(%run_scoped3A : memref<!tpu.dma_semaphore, #tpu.memory_space<semaphore_mem>>)
      %dma_wait3A_552 = tpu.memref_slice %arg7[%mul3A_2] : memref<16384xi32, #tpu.memory_space<hbm>> -> memref<512xi32, #tpu.memory_space<hbm>>
      %dma_wait3A_553 = tpu.memref_slice %arg7[%mul3A_2] : memref<16384xi32, #tpu.memory_space<hbm>> -> memref<512xi32, #tpu.memory_space<hbm>>
      tpu.wait_dma2 semaphore(%run_scoped3A : memref<!tpu.dma_semaphore, #tpu.memory_space<semaphore_mem>>) src(%dma_wait3A_553 : memref<512xi32, #tpu.memory_space<hbm>>) dst(%arg16 : memref<512xi32, #tpu.memory_space<vmem>>)
      tpu.yield
    }) : () -> ()
    %dma_start3A = arith.constant 0 : i32
    %dma_start3A_3 = arith.constant 0 : i32
    %dma_start3A_4 = arith.constant 0 : i32
    %dma_start3A_5 = tpu.memref_slice %arg17[%dma_start3A, %dma_start3A_3, %dma_start3A_4] : memref<2x128x128xf32, #tpu.memory_space<vmem>> -> memref<1x128x128xf32, #tpu.memory_space<vmem>>
    %dma_start3A_6 = tpu.memref_squeeze %dma_start3A_5 : memref<1x128x128xf32, #tpu.memory_space<vmem>> -> memref<128x128xf32, #tpu.memory_space<vmem>>
    %dma_start3A_7 = arith.constant 0 : i32
    %dma_start3A_8 = tpu.memref_slice %arg11[%dma_start3A_7] : memref<512xi32, #tpu.memory_space<vmem>> -> memref<128xi32, #tpu.memory_space<vmem>>
    %dma_start3A_9 = arith.constant 0 : i32
    %dma_start3A_10 = arith.constant 0 : i32
    %dma_start3A_11 = tpu.memref_slice %arg8[%dma_start3A_9, %dma_start3A_10] : memref<507904x128xf32, #tpu.memory_space<hbm>> -> memref<507904x128xf32, #tpu.memory_space<hbm>>
    tpu.enqueue_indirect_dma source(%dma_start3A_11 : memref<507904x128xf32, #tpu.memory_space<hbm>>) target(%dma_start3A_6 : memref<128x128xf32, #tpu.memory_space<vmem>>) offsets(%dma_start3A_8 : memref<128xi32, #tpu.memory_space<vmem>>) semaphore(%arg22 : memref<!tpu.dma_semaphore, #tpu.memory_space<semaphore_mem>>)
    %dma_start3A_12 = arith.constant 0 : i32
    %dma_start3A_13 = arith.constant 0 : i32
    %dma_start3A_14 = arith.constant 0 : i32
    %dma_start3A_15 = tpu.memref_slice %arg18[%dma_start3A_12, %dma_start3A_13, %dma_start3A_14] : memref<2x128x128xf32, #tpu.memory_space<vmem>> -> memref<1x128x128xf32, #tpu.memory_space<vmem>>
    %dma_start3A_16 = tpu.memref_squeeze %dma_start3A_15 : memref<1x128x128xf32, #tpu.memory_space<vmem>> -> memref<128x128xf32, #tpu.memory_space<vmem>>
    %dma_start3A_17 = arith.constant 0 : i32
    %dma_start3A_18 = tpu.memref_slice %arg12[%dma_start3A_17] : memref<512xi32, #tpu.memory_space<vmem>> -> memref<128xi32, #tpu.memory_space<vmem>>
    %dma_start3A_19 = arith.constant 0 : i32
    %dma_start3A_20 = arith.constant 0 : i32
    %dma_start3A_21 = tpu.memref_slice %arg9[%dma_start3A_19, %dma_start3A_20] : memref<507904x128xf32, #tpu.memory_space<hbm>> -> memref<507904x128xf32, #tpu.memory_space<hbm>>
    tpu.enqueue_indirect_dma source(%dma_start3A_21 : memref<507904x128xf32, #tpu.memory_space<hbm>>) target(%dma_start3A_16 : memref<128x128xf32, #tpu.memory_space<vmem>>) offsets(%dma_start3A_18 : memref<128xi32, #tpu.memory_space<vmem>>) semaphore(%arg22 : memref<!tpu.dma_semaphore, #tpu.memory_space<semaphore_mem>>)
    %dma_start3A_22 = arith.constant 0 : i32
    %dma_start3A_23 = arith.constant 0 : i32
    %dma_start3A_24 = arith.constant 0 : i32
    %dma_start3A_25 = tpu.memref_slice %arg19[%dma_start3A_22, %dma_start3A_23, %dma_start3A_24] : memref<2x128x128xf32, #tpu.memory_space<vmem>> -> memref<1x128x128xf32, #tpu.memory_space<vmem>>
    %dma_start3A_26 = tpu.memref_squeeze %dma_start3A_25 : memref<1x128x128xf32, #tpu.memory_space<vmem>> -> memref<128x128xf32, #tpu.memory_space<vmem>>
    %dma_start3A_27 = arith.constant 0 : i32
    %dma_start3A_28 = tpu.memref_slice %arg13[%dma_start3A_27] : memref<512xi32, #tpu.memory_space<vmem>> -> memref<128xi32, #tpu.memory_space<vmem>>
    %dma_start3A_29 = arith.constant 0 : i32
    %dma_start3A_30 = arith.constant 0 : i32
    %dma_start3A_31 = tpu.memref_slice %arg8[%dma_start3A_29, %dma_start3A_30] : memref<507904x128xf32, #tpu.memory_space<hbm>> -> memref<507904x128xf32, #tpu.memory_space<hbm>>
    tpu.enqueue_indirect_dma source(%dma_start3A_31 : memref<507904x128xf32, #tpu.memory_space<hbm>>) target(%dma_start3A_26 : memref<128x128xf32, #tpu.memory_space<vmem>>) offsets(%dma_start3A_28 : memref<128xi32, #tpu.memory_space<vmem>>) semaphore(%arg22 : memref<!tpu.dma_semaphore, #tpu.memory_space<semaphore_mem>>)
    %dma_start3A_32 = arith.constant 1 : i32
    %dma_start3A_33 = arith.constant 0 : i32
    %dma_start3A_34 = arith.constant 0 : i32
    %dma_start3A_35 = tpu.memref_slice %arg17[%dma_start3A_32, %dma_start3A_33, %dma_start3A_34] : memref<2x128x128xf32, #tpu.memory_space<vmem>> -> memref<1x128x128xf32, #tpu.memory_space<vmem>>
    %dma_start3A_36 = tpu.memref_squeeze %dma_start3A_35 : memref<1x128x128xf32, #tpu.memory_space<vmem>> -> memref<128x128xf32, #tpu.memory_space<vmem>>
    %dma_start3A_37 = arith.constant 128 : i32
    %dma_start3A_38 = tpu.memref_slice %arg11[%dma_start3A_37] : memref<512xi32, #tpu.memory_space<vmem>> -> memref<128xi32, #tpu.memory_space<vmem>>
    %dma_start3A_39 = arith.constant 0 : i32
    %dma_start3A_40 = arith.constant 0 : i32
    %dma_start3A_41 = tpu.memref_slice %arg8[%dma_start3A_39, %dma_start3A_40] : memref<507904x128xf32, #tpu.memory_space<hbm>> -> memref<507904x128xf32, #tpu.memory_space<hbm>>
    tpu.enqueue_indirect_dma source(%dma_start3A_41 : memref<507904x128xf32, #tpu.memory_space<hbm>>) target(%dma_start3A_36 : memref<128x128xf32, #tpu.memory_space<vmem>>) offsets(%dma_start3A_38 : memref<128xi32, #tpu.memory_space<vmem>>) semaphore(%arg23 : memref<!tpu.dma_semaphore, #tpu.memory_space<semaphore_mem>>)
    %dma_start3A_42 = arith.constant 1 : i32
    %dma_start3A_43 = arith.constant 0 : i32
    %dma_start3A_44 = arith.constant 0 : i32
    %dma_start3A_45 = tpu.memref_slice %arg18[%dma_start3A_42, %dma_start3A_43, %dma_start3A_44] : memref<2x128x128xf32, #tpu.memory_space<vmem>> -> memref<1x128x128xf32, #tpu.memory_space<vmem>>
    %dma_start3A_46 = tpu.memref_squeeze %dma_start3A_45 : memref<1x128x128xf32, #tpu.memory_space<vmem>> -> memref<128x128xf32, #tpu.memory_space<vmem>>
    %dma_start3A_47 = arith.constant 128 : i32
    %dma_start3A_48 = tpu.memref_slice %arg12[%dma_start3A_47] : memref<512xi32, #tpu.memory_space<vmem>> -> memref<128xi32, #tpu.memory_space<vmem>>
    %dma_start3A_49 = arith.constant 0 : i32
    %dma_start3A_50 = arith.constant 0 : i32
    %dma_start3A_51 = tpu.memref_slice %arg9[%dma_start3A_49, %dma_start3A_50] : memref<507904x128xf32, #tpu.memory_space<hbm>> -> memref<507904x128xf32, #tpu.memory_space<hbm>>
    tpu.enqueue_indirect_dma source(%dma_start3A_51 : memref<507904x128xf32, #tpu.memory_space<hbm>>) target(%dma_start3A_46 : memref<128x128xf32, #tpu.memory_space<vmem>>) offsets(%dma_start3A_48 : memref<128xi32, #tpu.memory_space<vmem>>) semaphore(%arg23 : memref<!tpu.dma_semaphore, #tpu.memory_space<semaphore_mem>>)
    %dma_start3A_52 = arith.constant 1 : i32
    %dma_start3A_53 = arith.constant 0 : i32
    %dma_start3A_54 = arith.constant 0 : i32
    %dma_start3A_55 = tpu.memref_slice %arg19[%dma_start3A_52, %dma_start3A_53, %dma_start3A_54] : memref<2x128x128xf32, #tpu.memory_space<vmem>> -> memref<1x128x128xf32, #tpu.memory_space<vmem>>
    %dma_start3A_56 = tpu.memref_squeeze %dma_start3A_55 : memref<1x128x128xf32, #tpu.memory_space<vmem>> -> memref<128x128xf32, #tpu.memory_space<vmem>>
    %dma_start3A_57 = arith.constant 128 : i32
    %dma_start3A_58 = tpu.memref_slice %arg13[%dma_start3A_57] : memref<512xi32, #tpu.memory_space<vmem>> -> memref<128xi32, #tpu.memory_space<vmem>>
    %dma_start3A_59 = arith.constant 0 : i32
    %dma_start3A_60 = arith.constant 0 : i32
    %dma_start3A_61 = tpu.memref_slice %arg8[%dma_start3A_59, %dma_start3A_60] : memref<507904x128xf32, #tpu.memory_space<hbm>> -> memref<507904x128xf32, #tpu.memory_space<hbm>>
    tpu.enqueue_indirect_dma source(%dma_start3A_61 : memref<507904x128xf32, #tpu.memory_space<hbm>>) target(%dma_start3A_56 : memref<128x128xf32, #tpu.memory_space<vmem>>) offsets(%dma_start3A_58 : memref<128xi32, #tpu.memory_space<vmem>>) semaphore(%arg23 : memref<!tpu.dma_semaphore, #tpu.memory_space<semaphore_mem>>)
    %dma_wait3A = arith.constant 0 : i32
    %dma_wait3A_62 = arith.constant 0 : i32
    %dma_wait3A_63 = arith.constant 0 : i32
    %dma_wait3A_64 = tpu.memref_slice %arg17[%dma_wait3A, %dma_wait3A_62, %dma_wait3A_63] : memref<2x128x128xf32, #tpu.memory_space<vmem>> -> memref<1x128x128xf32, #tpu.memory_space<vmem>>
    %dma_wait3A_65 = tpu.memref_squeeze %dma_wait3A_64 : memref<1x128x128xf32, #tpu.memory_space<vmem>> -> memref<128x128xf32, #tpu.memory_space<vmem>>
    %dma_wait3A_66 = arith.constant 0 : i32
    %dma_wait3A_67 = tpu.memref_slice %arg11[%dma_wait3A_66] : memref<512xi32, #tpu.memory_space<vmem>> -> memref<128xi32, #tpu.memory_space<vmem>>
    %dma_wait3A_68 = arith.constant 0 : i32
    %dma_wait3A_69 = arith.constant 0 : i32
    %dma_wait3A_70 = tpu.memref_slice %arg8[%dma_wait3A_68, %dma_wait3A_69] : memref<507904x128xf32, #tpu.memory_space<hbm>> -> memref<507904x128xf32, #tpu.memory_space<hbm>>
    tpu.wait_indirect_dma semaphore(%arg22 : memref<!tpu.dma_semaphore, #tpu.memory_space<semaphore_mem>>) src(%dma_wait3A_70 : memref<507904x128xf32, #tpu.memory_space<hbm>>) dst(%dma_wait3A_65 : memref<128x128xf32, #tpu.memory_space<vmem>>)
    %dma_wait3A_71 = arith.constant 0 : i32
    %dma_wait3A_72 = arith.constant 0 : i32
    %dma_wait3A_73 = arith.constant 0 : i32
    %dma_wait3A_74 = tpu.memref_slice %arg18[%dma_wait3A_71, %dma_wait3A_72, %dma_wait3A_73] : memref<2x128x128xf32, #tpu.memory_space<vmem>> -> memref<1x128x128xf32, #tpu.memory_space<vmem>>
    %dma_wait3A_75 = tpu.memref_squeeze %dma_wait3A_74 : memref<1x128x128xf32, #tpu.memory_space<vmem>> -> memref<128x128xf32, #tpu.memory_space<vmem>>
    %dma_wait3A_76 = arith.constant 0 : i32
    %dma_wait3A_77 = tpu.memref_slice %arg12[%dma_wait3A_76] : memref<512xi32, #tpu.memory_space<vmem>> -> memref<128xi32, #tpu.memory_space<vmem>>
    %dma_wait3A_78 = arith.constant 0 : i32
    %dma_wait3A_79 = arith.constant 0 : i32
    %dma_wait3A_80 = tpu.memref_slice %arg9[%dma_wait3A_78, %dma_wait3A_79] : memref<507904x128xf32, #tpu.memory_space<hbm>> -> memref<507904x128xf32, #tpu.memory_space<hbm>>
    tpu.wait_indirect_dma semaphore(%arg22 : memref<!tpu.dma_semaphore, #tpu.memory_space<semaphore_mem>>) src(%dma_wait3A_80 : memref<507904x128xf32, #tpu.memory_space<hbm>>) dst(%dma_wait3A_75 : memref<128x128xf32, #tpu.memory_space<vmem>>)
    %dma_wait3A_81 = arith.constant 0 : i32
    %dma_wait3A_82 = arith.constant 0 : i32
    %dma_wait3A_83 = arith.constant 0 : i32
    %dma_wait3A_84 = tpu.memref_slice %arg19[%dma_wait3A_81, %dma_wait3A_82, %dma_wait3A_83] : memref<2x128x128xf32, #tpu.memory_space<vmem>> -> memref<1x128x128xf32, #tpu.memory_space<vmem>>
    %dma_wait3A_85 = tpu.memref_squeeze %dma_wait3A_84 : memref<1x128x128xf32, #tpu.memory_space<vmem>> -> memref<128x128xf32, #tpu.memory_space<vmem>>
    %dma_wait3A_86 = arith.constant 0 : i32
    %dma_wait3A_87 = tpu.memref_slice %arg13[%dma_wait3A_86] : memref<512xi32, #tpu.memory_space<vmem>> -> memref<128xi32, #tpu.memory_space<vmem>>
    %dma_wait3A_88 = arith.constant 0 : i32
    %dma_wait3A_89 = arith.constant 0 : i32
    %dma_wait3A_90 = tpu.memref_slice %arg8[%dma_wait3A_88, %dma_wait3A_89] : memref<507904x128xf32, #tpu.memory_space<hbm>> -> memref<507904x128xf32, #tpu.memory_space<hbm>>
    tpu.wait_indirect_dma semaphore(%arg22 : memref<!tpu.dma_semaphore, #tpu.memory_space<semaphore_mem>>) src(%dma_wait3A_90 : memref<507904x128xf32, #tpu.memory_space<hbm>>) dst(%dma_wait3A_85 : memref<128x128xf32, #tpu.memory_space<vmem>>)
    %scan3A = arith.constant 0 : i32
    %scan3A_91 = arith.constant 0 : i32
    %scan3A_92 = arith.constant 128 : i32
    %scan3A_93 = arith.addi %scan3A_91, %scan3A_92 : i32
    %scan3A_94 = arith.constant 1 : i32
    scf.for %scan3A_550 = %scan3A_91 to %scan3A_93 step %scan3A_94  : i32 {
      %add3A_551 = arith.constant 0 : i32
      %add3A_552 = arith.addi %add3A_551, %scan3A_550 : i32
      %broadcast_in_dim3A_553 = vector.broadcast %add3A_552 : i32 to vector<16xi32>
      %gather3A_554 = tpu.vector_load_idx %arg14[%broadcast_in_dim3A_553] : memref<512xi32, #tpu.memory_space<vmem>>[vector<16xi32>], vector<16xi32>,
      %ne3A = arith.constant 0 : i32
      %ne3A_555 = vector.broadcast %ne3A : i32 to vector<16xi32>
      %ne3A_556 = arith.cmpi ne, %gather3A_554, %ne3A_555 : vector<16xi32>
      %gather3A_557 = tpu.vector_load_idx %arg15[%broadcast_in_dim3A_553] : memref<512xi32, #tpu.memory_space<vmem>>[vector<16xi32>], vector<16xi32>,
      %ne3A_558 = arith.constant 0 : i32
      %ne3A_559 = vector.broadcast %ne3A_558 : i32 to vector<16xi32>
      %ne3A_560 = arith.cmpi ne, %gather3A_557, %ne3A_559 : vector<16xi32>
      %gather3A_561 = tpu.vector_load_idx %arg16[%broadcast_in_dim3A_553] : memref<512xi32, #tpu.memory_space<vmem>>[vector<16xi32>], vector<16xi32>,
      %ne3A_562 = arith.constant 0 : i32
      %ne3A_563 = vector.broadcast %ne3A_562 : i32 to vector<16xi32>
      %ne3A_564 = arith.cmpi ne, %gather3A_561, %ne3A_563 : vector<16xi32>
      %get3A = arith.constant 0 : i32
      %get3A_565 = arith.index_cast %get3A : i32 to index
      %get3A_566 = arith.index_cast %scan3A_550 : i32 to index
      %get3A_567 = arith.constant 64 : index
      %get3A_568 = tpu.vector_load %arg17[%get3A_565, %get3A_566, %get3A_567] {strides = array<i32>} : memref<2x128x128xf32, #tpu.memory_space<vmem>>, vector<16xf32>,
      %get3A_569 = arith.constant 0 : i32
      %get3A_570 = arith.index_cast %get3A_569 : i32 to index
      %get3A_571 = arith.index_cast %scan3A_550 : i32 to index
      %get3A_572 = arith.constant 0 : index
      %get3A_573 = tpu.vector_load %arg17[%get3A_570, %get3A_571, %get3A_572] {strides = array<i32>} : memref<2x128x128xf32, #tpu.memory_space<vmem>>, vector<16xf32>,
      %select_n3A = arith.select %ne3A_556, %get3A_568, %get3A_573 : vector<16xi1>, vector<16xf32>
      %get3A_574 = arith.constant 0 : i32
      %get3A_575 = arith.index_cast %get3A_574 : i32 to index
      %get3A_576 = arith.index_cast %scan3A_550 : i32 to index
      %get3A_577 = arith.constant 64 : index
      %get3A_578 = tpu.vector_load %arg18[%get3A_575, %get3A_576, %get3A_577] {strides = array<i32>} : memref<2x128x128xf32, #tpu.memory_space<vmem>>, vector<16xf32>,
      %get3A_579 = arith.constant 0 : i32
      %get3A_580 = arith.index_cast %get3A_579 : i32 to index
      %get3A_581 = arith.index_cast %scan3A_550 : i32 to index
      %get3A_582 = arith.constant 0 : index
      %get3A_583 = tpu.vector_load %arg18[%get3A_580, %get3A_581, %get3A_582] {strides = array<i32>} : memref<2x128x128xf32, #tpu.memory_space<vmem>>, vector<16xf32>,
      %select_n3A_584 = arith.select %ne3A_560, %get3A_578, %get3A_583 : vector<16xi1>, vector<16xf32>
      %get3A_585 = arith.constant 0 : i32
      %get3A_586 = arith.index_cast %get3A_585 : i32 to index
      %get3A_587 = arith.index_cast %scan3A_550 : i32 to index
      %get3A_588 = arith.constant 64 : index
      %get3A_589 = tpu.vector_load %arg19[%get3A_586, %get3A_587, %get3A_588] {strides = array<i32>} : memref<2x128x128xf32, #tpu.memory_space<vmem>>, vector<16xf32>,
      %get3A_590 = arith.constant 0 : i32
      %get3A_591 = arith.index_cast %get3A_590 : i32 to index
      %get3A_592 = arith.index_cast %scan3A_550 : i32 to index
      %get3A_593 = arith.constant 0 : index
      %get3A_594 = tpu.vector_load %arg19[%get3A_591, %get3A_592, %get3A_593] {strides = array<i32>} : memref<2x128x128xf32, #tpu.memory_space<vmem>>, vector<16xf32>,
      %select_n3A_595 = arith.select %ne3A_564, %get3A_589, %get3A_594 : vector<16xi1>, vector<16xf32>
      %add3A_596 = arith.addf %select_n3A, %select_n3A_584 : vector<16xf32>
      %sub3A_597 = arith.subf %add3A_596, %select_n3A_595 : vector<16xf32>
      %abs3A = math.absf %sub3A_597 : vector<16xf32>
      %get3A_598 = arith.constant 0 : i32
      %get3A_599 = arith.index_cast %get3A_598 : i32 to index
      %get3A_600 = arith.index_cast %scan3A_550 : i32 to index
      %get3A_601 = arith.constant 80 : index
      %get3A_602 = tpu.vector_load %arg17[%get3A_599, %get3A_600, %get3A_601] {strides = array<i32>} : memref<2x128x128xf32, #tpu.memory_space<vmem>>, vector<16xf32>,
      %get3A_603 = arith.constant 0 : i32
      %get3A_604 = arith.index_cast %get3A_603 : i32 to index
      %get3A_605 = arith.index_cast %scan3A_550 : i32 to index
      %get3A_606 = arith.constant 16 : index
      %get3A_607 = tpu.vector_load %arg17[%get3A_604, %get3A_605, %get3A_606] {strides = array<i32>} : memref<2x128x128xf32, #tpu.memory_space<vmem>>, vector<16xf32>,
      %select_n3A_608 = arith.select %ne3A_556, %get3A_602, %get3A_607 : vector<16xi1>, vector<16xf32>
      %get3A_609 = arith.constant 0 : i32
      %get3A_610 = arith.index_cast %get3A_609 : i32 to index
      %get3A_611 = arith.index_cast %scan3A_550 : i32 to index
      %get3A_612 = arith.constant 80 : index
      %get3A_613 = tpu.vector_load %arg18[%get3A_610, %get3A_611, %get3A_612] {strides = array<i32>} : memref<2x128x128xf32, #tpu.memory_space<vmem>>, vector<16xf32>,
      %get3A_614 = arith.constant 0 : i32
      %get3A_615 = arith.index_cast %get3A_614 : i32 to index
      %get3A_616 = arith.index_cast %scan3A_550 : i32 to index
      %get3A_617 = arith.constant 16 : index
      %get3A_618 = tpu.vector_load %arg18[%get3A_615, %get3A_616, %get3A_617] {strides = array<i32>} : memref<2x128x128xf32, #tpu.memory_space<vmem>>, vector<16xf32>,
      %select_n3A_619 = arith.select %ne3A_560, %get3A_613, %get3A_618 : vector<16xi1>, vector<16xf32>
      %get3A_620 = arith.constant 0 : i32
      %get3A_621 = arith.index_cast %get3A_620 : i32 to index
      %get3A_622 = arith.index_cast %scan3A_550 : i32 to index
      %get3A_623 = arith.constant 80 : index
      %get3A_624 = tpu.vector_load %arg19[%get3A_621, %get3A_622, %get3A_623] {strides = array<i32>} : memref<2x128x128xf32, #tpu.memory_space<vmem>>, vector<16xf32>,
      %get3A_625 = arith.constant 0 : i32
      %get3A_626 = arith.index_cast %get3A_625 : i32 to index
      %get3A_627 = arith.index_cast %scan3A_550 : i32 to index
      %get3A_628 = arith.constant 16 : index
      %get3A_629 = tpu.vector_load %arg19[%get3A_626, %get3A_627, %get3A_628] {strides = array<i32>} : memref<2x128x128xf32, #tpu.memory_space<vmem>>, vector<16xf32>,
      %select_n3A_630 = arith.select %ne3A_564, %get3A_624, %get3A_629 : vector<16xi1>, vector<16xf32>
      %add3A_631 = arith.addf %select_n3A_608, %select_n3A_619 : vector<16xf32>
      %sub3A_632 = arith.subf %add3A_631, %select_n3A_630 : vector<16xf32>
      %abs3A_633 = math.absf %sub3A_632 : vector<16xf32>
      %add3A_634 = arith.addf %abs3A, %abs3A_633 : vector<16xf32>
      %get3A_635 = arith.constant 0 : i32
      %get3A_636 = arith.index_cast %get3A_635 : i32 to index
      %get3A_637 = arith.index_cast %scan3A_550 : i32 to index
      %get3A_638 = arith.constant 96 : index
      %get3A_639 = tpu.vector_load %arg17[%get3A_636, %get3A_637, %get3A_638] {strides = array<i32>} : memref<2x128x128xf32, #tpu.memory_space<vmem>>, vector<16xf32>,
      %get3A_640 = arith.constant 0 : i32
      %get3A_641 = arith.index_cast %get3A_640 : i32 to index
      %get3A_642 = arith.index_cast %scan3A_550 : i32 to index
      %get3A_643 = arith.constant 32 : index
      %get3A_644 = tpu.vector_load %arg17[%get3A_641, %get3A_642, %get3A_643] {strides = array<i32>} : memref<2x128x128xf32, #tpu.memory_space<vmem>>, vector<16xf32>,
      %select_n3A_645 = arith.select %ne3A_556, %get3A_639, %get3A_644 : vector<16xi1>, vector<16xf32>
      %get3A_646 = arith.constant 0 : i32
      %get3A_647 = arith.index_cast %get3A_646 : i32 to index
      %get3A_648 = arith.index_cast %scan3A_550 : i32 to index
      %get3A_649 = arith.constant 96 : index
      %get3A_650 = tpu.vector_load %arg18[%get3A_647, %get3A_648, %get3A_649] {strides = array<i32>} : memref<2x128x128xf32, #tpu.memory_space<vmem>>, vector<16xf32>,
      %get3A_651 = arith.constant 0 : i32
      %get3A_652 = arith.index_cast %get3A_651 : i32 to index
      %get3A_653 = arith.index_cast %scan3A_550 : i32 to index
      %get3A_654 = arith.constant 32 : index
      %get3A_655 = tpu.vector_load %arg18[%get3A_652, %get3A_653, %get3A_654] {strides = array<i32>} : memref<2x128x128xf32, #tpu.memory_space<vmem>>, vector<16xf32>,
      %select_n3A_656 = arith.select %ne3A_560, %get3A_650, %get3A_655 : vector<16xi1>, vector<16xf32>
      %get3A_657 = arith.constant 0 : i32
      %get3A_658 = arith.index_cast %get3A_657 : i32 to index
      %get3A_659 = arith.index_cast %scan3A_550 : i32 to index
      %get3A_660 = arith.constant 96 : index
      %get3A_661 = tpu.vector_load %arg19[%get3A_658, %get3A_659, %get3A_660] {strides = array<i32>} : memref<2x128x128xf32, #tpu.memory_space<vmem>>, vector<16xf32>,
      %get3A_662 = arith.constant 0 : i32
      %get3A_663 = arith.index_cast %get3A_662 : i32 to index
      %get3A_664 = arith.index_cast %scan3A_550 : i32 to index
      %get3A_665 = arith.constant 32 : index
      %get3A_666 = tpu.vector_load %arg19[%get3A_663, %get3A_664, %get3A_665] {strides = array<i32>} : memref<2x128x128xf32, #tpu.memory_space<vmem>>, vector<16xf32>,
      %select_n3A_667 = arith.select %ne3A_564, %get3A_661, %get3A_666 : vector<16xi1>, vector<16xf32>
      %add3A_668 = arith.addf %select_n3A_645, %select_n3A_656 : vector<16xf32>
      %sub3A_669 = arith.subf %add3A_668, %select_n3A_667 : vector<16xf32>
      %abs3A_670 = math.absf %sub3A_669 : vector<16xf32>
      %add3A_671 = arith.addf %add3A_634, %abs3A_670 : vector<16xf32>
      %get3A_672 = arith.constant 0 : i32
      %get3A_673 = arith.index_cast %get3A_672 : i32 to index
      %get3A_674 = arith.index_cast %scan3A_550 : i32 to index
      %get3A_675 = arith.constant 112 : index
      %get3A_676 = tpu.vector_load %arg17[%get3A_673, %get3A_674, %get3A_675] {strides = array<i32>} : memref<2x128x128xf32, #tpu.memory_space<vmem>>, vector<16xf32>,
      %get3A_677 = arith.constant 0 : i32
      %get3A_678 = arith.index_cast %get3A_677 : i32 to index
      %get3A_679 = arith.index_cast %scan3A_550 : i32 to index
      %get3A_680 = arith.constant 48 : index
      %get3A_681 = tpu.vector_load %arg17[%get3A_678, %get3A_679, %get3A_680] {strides = array<i32>} : memref<2x128x128xf32, #tpu.memory_space<vmem>>, vector<16xf32>,
      %select_n3A_682 = arith.select %ne3A_556, %get3A_676, %get3A_681 : vector<16xi1>, vector<16xf32>
      %get3A_683 = arith.constant 0 : i32
      %get3A_684 = arith.index_cast %get3A_683 : i32 to index
      %get3A_685 = arith.index_cast %scan3A_550 : i32 to index
      %get3A_686 = arith.constant 112 : index
      %get3A_687 = tpu.vector_load %arg18[%get3A_684, %get3A_685, %get3A_686] {strides = array<i32>} : memref<2x128x128xf32, #tpu.memory_space<vmem>>, vector<16xf32>,
      %get3A_688 = arith.constant 0 : i32
      %get3A_689 = arith.index_cast %get3A_688 : i32 to index
      %get3A_690 = arith.index_cast %scan3A_550 : i32 to index
      %get3A_691 = arith.constant 48 : index
      %get3A_692 = tpu.vector_load %arg18[%get3A_689, %get3A_690, %get3A_691] {strides = array<i32>} : memref<2x128x128xf32, #tpu.memory_space<vmem>>, vector<16xf32>,
      %select_n3A_693 = arith.select %ne3A_560, %get3A_687, %get3A_692 : vector<16xi1>, vector<16xf32>
      %get3A_694 = arith.constant 0 : i32
      %get3A_695 = arith.index_cast %get3A_694 : i32 to index
      %get3A_696 = arith.index_cast %scan3A_550 : i32 to index
      %get3A_697 = arith.constant 112 : index
      %get3A_698 = tpu.vector_load %arg19[%get3A_695, %get3A_696, %get3A_697] {strides = array<i32>} : memref<2x128x128xf32, #tpu.memory_space<vmem>>, vector<16xf32>,
      %get3A_699 = arith.constant 0 : i32
      %get3A_700 = arith.index_cast %get3A_699 : i32 to index
      %get3A_701 = arith.index_cast %scan3A_550 : i32 to index
      %get3A_702 = arith.constant 48 : index
      %get3A_703 = tpu.vector_load %arg19[%get3A_700, %get3A_701, %get3A_702] {strides = array<i32>} : memref<2x128x128xf32, #tpu.memory_space<vmem>>, vector<16xf32>,
      %select_n3A_704 = arith.select %ne3A_564, %get3A_698, %get3A_703 : vector<16xi1>, vector<16xf32>
      %add3A_705 = arith.addf %select_n3A_682, %select_n3A_693 : vector<16xf32>
      %sub3A_706 = arith.subf %add3A_705, %select_n3A_704 : vector<16xf32>
      %abs3A_707 = math.absf %sub3A_706 : vector<16xf32>
      %add3A_708 = arith.addf %add3A_671, %abs3A_707 : vector<16xf32>
      %broadcast_in_dim3A_709 = arith.constant true
      %broadcast_in_dim3A_710 = vector.broadcast %broadcast_in_dim3A_709 : i1 to vector<16xi1>
      %masked_cumsum3A = tpu.scan <sum>, %add3A_708 masked %broadcast_in_dim3A_710 : vector<16xf32>, vector<16xi1> -> vector<16xf32>
      %swap3A_711 = arith.index_cast %add3A_552 : i32 to index
      %swap3A_712 = arith.constant 0 : index
      %swap3A_713 = tpu.vector_load %arg20[%swap3A_711, %swap3A_712] {strides = array<i32>} : memref<512x16xf32, #tpu.memory_space<vmem>>, vector<16xf32>,
      tpu.vector_store %arg20[%swap3A_711, %swap3A_712], %masked_cumsum3A {strides = array<i32>} : memref<512x16xf32, #tpu.memory_space<vmem>>, vector<16xf32>,
    }
    %scan3A_95 = arith.constant 128 : i32
    %dma_start3A_96 = arith.constant 0 : i32
    %dma_start3A_97 = arith.constant 0 : i32
    %dma_start3A_98 = arith.constant 0 : i32
    %dma_start3A_99 = tpu.memref_slice %arg17[%dma_start3A_96, %dma_start3A_97, %dma_start3A_98] : memref<2x128x128xf32, #tpu.memory_space<vmem>> -> memref<1x128x128xf32, #tpu.memory_space<vmem>>
    %dma_start3A_100 = tpu.memref_squeeze %dma_start3A_99 : memref<1x128x128xf32, #tpu.memory_space<vmem>> -> memref<128x128xf32, #tpu.memory_space<vmem>>
    %dma_start3A_101 = arith.constant 256 : i32
    %dma_start3A_102 = tpu.memref_slice %arg11[%dma_start3A_101] : memref<512xi32, #tpu.memory_space<vmem>> -> memref<128xi32, #tpu.memory_space<vmem>>
    %dma_start3A_103 = arith.constant 0 : i32
    %dma_start3A_104 = arith.constant 0 : i32
    %dma_start3A_105 = tpu.memref_slice %arg8[%dma_start3A_103, %dma_start3A_104] : memref<507904x128xf32, #tpu.memory_space<hbm>> -> memref<507904x128xf32, #tpu.memory_space<hbm>>
    tpu.enqueue_indirect_dma source(%dma_start3A_105 : memref<507904x128xf32, #tpu.memory_space<hbm>>) target(%dma_start3A_100 : memref<128x128xf32, #tpu.memory_space<vmem>>) offsets(%dma_start3A_102 : memref<128xi32, #tpu.memory_space<vmem>>) semaphore(%arg22 : memref<!tpu.dma_semaphore, #tpu.memory_space<semaphore_mem>>)
    %dma_start3A_106 = arith.constant 0 : i32
    %dma_start3A_107 = arith.constant 0 : i32
    %dma_start3A_108 = arith.constant 0 : i32
    %dma_start3A_109 = tpu.memref_slice %arg18[%dma_start3A_106, %dma_start3A_107, %dma_start3A_108] : memref<2x128x128xf32, #tpu.memory_space<vmem>> -> memref<1x128x128xf32, #tpu.memory_space<vmem>>
    %dma_start3A_110 = tpu.memref_squeeze %dma_start3A_109 : memref<1x128x128xf32, #tpu.memory_space<vmem>> -> memref<128x128xf32, #tpu.memory_space<vmem>>
    %dma_start3A_111 = arith.constant 256 : i32
    %dma_start3A_112 = tpu.memref_slice %arg12[%dma_start3A_111] : memref<512xi32, #tpu.memory_space<vmem>> -> memref<128xi32, #tpu.memory_space<vmem>>
    %dma_start3A_113 = arith.constant 0 : i32
    %dma_start3A_114 = arith.constant 0 : i32
    %dma_start3A_115 = tpu.memref_slice %arg9[%dma_start3A_113, %dma_start3A_114] : memref<507904x128xf32, #tpu.memory_space<hbm>> -> memref<507904x128xf32, #tpu.memory_space<hbm>>
    tpu.enqueue_indirect_dma source(%dma_start3A_115 : memref<507904x128xf32, #tpu.memory_space<hbm>>) target(%dma_start3A_110 : memref<128x128xf32, #tpu.memory_space<vmem>>) offsets(%dma_start3A_112 : memref<128xi32, #tpu.memory_space<vmem>>) semaphore(%arg22 : memref<!tpu.dma_semaphore, #tpu.memory_space<semaphore_mem>>)
    %dma_start3A_116 = arith.constant 0 : i32
    %dma_start3A_117 = arith.constant 0 : i32
    %dma_start3A_118 = arith.constant 0 : i32
    %dma_start3A_119 = tpu.memref_slice %arg19[%dma_start3A_116, %dma_start3A_117, %dma_start3A_118] : memref<2x128x128xf32, #tpu.memory_space<vmem>> -> memref<1x128x128xf32, #tpu.memory_space<vmem>>
    %dma_start3A_120 = tpu.memref_squeeze %dma_start3A_119 : memref<1x128x128xf32, #tpu.memory_space<vmem>> -> memref<128x128xf32, #tpu.memory_space<vmem>>
    %dma_start3A_121 = arith.constant 256 : i32
    %dma_start3A_122 = tpu.memref_slice %arg13[%dma_start3A_121] : memref<512xi32, #tpu.memory_space<vmem>> -> memref<128xi32, #tpu.memory_space<vmem>>
    %dma_start3A_123 = arith.constant 0 : i32
    %dma_start3A_124 = arith.constant 0 : i32
    %dma_start3A_125 = tpu.memref_slice %arg8[%dma_start3A_123, %dma_start3A_124] : memref<507904x128xf32, #tpu.memory_space<hbm>> -> memref<507904x128xf32, #tpu.memory_space<hbm>>
    tpu.enqueue_indirect_dma source(%dma_start3A_125 : memref<507904x128xf32, #tpu.memory_space<hbm>>) target(%dma_start3A_120 : memref<128x128xf32, #tpu.memory_space<vmem>>) offsets(%dma_start3A_122 : memref<128xi32, #tpu.memory_space<vmem>>) semaphore(%arg22 : memref<!tpu.dma_semaphore, #tpu.memory_space<semaphore_mem>>)
    %dma_wait3A_126 = arith.constant 1 : i32
    %dma_wait3A_127 = arith.constant 0 : i32
    %dma_wait3A_128 = arith.constant 0 : i32
    %dma_wait3A_129 = tpu.memref_slice %arg17[%dma_wait3A_126, %dma_wait3A_127, %dma_wait3A_128] : memref<2x128x128xf32, #tpu.memory_space<vmem>> -> memref<1x128x128xf32, #tpu.memory_space<vmem>>
    %dma_wait3A_130 = tpu.memref_squeeze %dma_wait3A_129 : memref<1x128x128xf32, #tpu.memory_space<vmem>> -> memref<128x128xf32, #tpu.memory_space<vmem>>
    %dma_wait3A_131 = arith.constant 128 : i32
    %dma_wait3A_132 = tpu.memref_slice %arg11[%dma_wait3A_131] : memref<512xi32, #tpu.memory_space<vmem>> -> memref<128xi32, #tpu.memory_space<vmem>>
    %dma_wait3A_133 = arith.constant 0 : i32
    %dma_wait3A_134 = arith.constant 0 : i32
    %dma_wait3A_135 = tpu.memref_slice %arg8[%dma_wait3A_133, %dma_wait3A_134] : memref<507904x128xf32, #tpu.memory_space<hbm>> -> memref<507904x128xf32, #tpu.memory_space<hbm>>
    tpu.wait_indirect_dma semaphore(%arg23 : memref<!tpu.dma_semaphore, #tpu.memory_space<semaphore_mem>>) src(%dma_wait3A_135 : memref<507904x128xf32, #tpu.memory_space<hbm>>) dst(%dma_wait3A_130 : memref<128x128xf32, #tpu.memory_space<vmem>>)
    %dma_wait3A_136 = arith.constant 1 : i32
    %dma_wait3A_137 = arith.constant 0 : i32
    %dma_wait3A_138 = arith.constant 0 : i32
    %dma_wait3A_139 = tpu.memref_slice %arg18[%dma_wait3A_136, %dma_wait3A_137, %dma_wait3A_138] : memref<2x128x128xf32, #tpu.memory_space<vmem>> -> memref<1x128x128xf32, #tpu.memory_space<vmem>>
    %dma_wait3A_140 = tpu.memref_squeeze %dma_wait3A_139 : memref<1x128x128xf32, #tpu.memory_space<vmem>> -> memref<128x128xf32, #tpu.memory_space<vmem>>
    %dma_wait3A_141 = arith.constant 128 : i32
    %dma_wait3A_142 = tpu.memref_slice %arg12[%dma_wait3A_141] : memref<512xi32, #tpu.memory_space<vmem>> -> memref<128xi32, #tpu.memory_space<vmem>>
    %dma_wait3A_143 = arith.constant 0 : i32
    %dma_wait3A_144 = arith.constant 0 : i32
    %dma_wait3A_145 = tpu.memref_slice %arg9[%dma_wait3A_143, %dma_wait3A_144] : memref<507904x128xf32, #tpu.memory_space<hbm>> -> memref<507904x128xf32, #tpu.memory_space<hbm>>
    tpu.wait_indirect_dma semaphore(%arg23 : memref<!tpu.dma_semaphore, #tpu.memory_space<semaphore_mem>>) src(%dma_wait3A_145 : memref<507904x128xf32, #tpu.memory_space<hbm>>) dst(%dma_wait3A_140 : memref<128x128xf32, #tpu.memory_space<vmem>>)
    %dma_wait3A_146 = arith.constant 1 : i32
    %dma_wait3A_147 = arith.constant 0 : i32
    %dma_wait3A_148 = arith.constant 0 : i32
    %dma_wait3A_149 = tpu.memref_slice %arg19[%dma_wait3A_146, %dma_wait3A_147, %dma_wait3A_148] : memref<2x128x128xf32, #tpu.memory_space<vmem>> -> memref<1x128x128xf32, #tpu.memory_space<vmem>>
    %dma_wait3A_150 = tpu.memref_squeeze %dma_wait3A_149 : memref<1x128x128xf32, #tpu.memory_space<vmem>> -> memref<128x128xf32, #tpu.memory_space<vmem>>
    %dma_wait3A_151 = arith.constant 128 : i32
    %dma_wait3A_152 = tpu.memref_slice %arg13[%dma_wait3A_151] : memref<512xi32, #tpu.memory_space<vmem>> -> memref<128xi32, #tpu.memory_space<vmem>>
    %dma_wait3A_153 = arith.constant 0 : i32
    %dma_wait3A_154 = arith.constant 0 : i32
    %dma_wait3A_155 = tpu.memref_slice %arg8[%dma_wait3A_153, %dma_wait3A_154] : memref<507904x128xf32, #tpu.memory_space<hbm>> -> memref<507904x128xf32, #tpu.memory_space<hbm>>
    tpu.wait_indirect_dma semaphore(%arg23 : memref<!tpu.dma_semaphore, #tpu.memory_space<semaphore_mem>>) src(%dma_wait3A_155 : memref<507904x128xf32, #tpu.memory_space<hbm>>) dst(%dma_wait3A_150 : memref<128x128xf32, #tpu.memory_space<vmem>>)
    %scan3A_156 = arith.constant 0 : i32
    %scan3A_157 = arith.constant 0 : i32
    %scan3A_158 = arith.constant 128 : i32
    %scan3A_159 = arith.addi %scan3A_157, %scan3A_158 : i32
    %scan3A_160 = arith.constant 1 : i32
    scf.for %scan3A_550 = %scan3A_157 to %scan3A_159 step %scan3A_160  : i32 {
      %add3A_551 = arith.constant 128 : i32
      %add3A_552 = arith.addi %add3A_551, %scan3A_550 : i32
      %broadcast_in_dim3A_553 = vector.broadcast %add3A_552 : i32 to vector<16xi32>
      %gather3A_554 = tpu.vector_load_idx %arg14[%broadcast_in_dim3A_553] : memref<512xi32, #tpu.memory_space<vmem>>[vector<16xi32>], vector<16xi32>,
      %ne3A = arith.constant 0 : i32
      %ne3A_555 = vector.broadcast %ne3A : i32 to vector<16xi32>
      %ne3A_556 = arith.cmpi ne, %gather3A_554, %ne3A_555 : vector<16xi32>
      %gather3A_557 = tpu.vector_load_idx %arg15[%broadcast_in_dim3A_553] : memref<512xi32, #tpu.memory_space<vmem>>[vector<16xi32>], vector<16xi32>,
      %ne3A_558 = arith.constant 0 : i32
      %ne3A_559 = vector.broadcast %ne3A_558 : i32 to vector<16xi32>
      %ne3A_560 = arith.cmpi ne, %gather3A_557, %ne3A_559 : vector<16xi32>
      %gather3A_561 = tpu.vector_load_idx %arg16[%broadcast_in_dim3A_553] : memref<512xi32, #tpu.memory_space<vmem>>[vector<16xi32>], vector<16xi32>,
      %ne3A_562 = arith.constant 0 : i32
      %ne3A_563 = vector.broadcast %ne3A_562 : i32 to vector<16xi32>
      %ne3A_564 = arith.cmpi ne, %gather3A_561, %ne3A_563 : vector<16xi32>
      %get3A = arith.constant 1 : i32
      %get3A_565 = arith.index_cast %get3A : i32 to index
      %get3A_566 = arith.index_cast %scan3A_550 : i32 to index
      %get3A_567 = arith.constant 64 : index
      %get3A_568 = tpu.vector_load %arg17[%get3A_565, %get3A_566, %get3A_567] {strides = array<i32>} : memref<2x128x128xf32, #tpu.memory_space<vmem>>, vector<16xf32>,
      %get3A_569 = arith.constant 1 : i32
      %get3A_570 = arith.index_cast %get3A_569 : i32 to index
      %get3A_571 = arith.index_cast %scan3A_550 : i32 to index
      %get3A_572 = arith.constant 0 : index
      %get3A_573 = tpu.vector_load %arg17[%get3A_570, %get3A_571, %get3A_572] {strides = array<i32>} : memref<2x128x128xf32, #tpu.memory_space<vmem>>, vector<16xf32>,
      %select_n3A = arith.select %ne3A_556, %get3A_568, %get3A_573 : vector<16xi1>, vector<16xf32>
      %get3A_574 = arith.constant 1 : i32
      %get3A_575 = arith.index_cast %get3A_574 : i32 to index
      %get3A_576 = arith.index_cast %scan3A_550 : i32 to index
      %get3A_577 = arith.constant 64 : index
      %get3A_578 = tpu.vector_load %arg18[%get3A_575, %get3A_576, %get3A_577] {strides = array<i32>} : memref<2x128x128xf32, #tpu.memory_space<vmem>>, vector<16xf32>,
      %get3A_579 = arith.constant 1 : i32
      %get3A_580 = arith.index_cast %get3A_579 : i32 to index
      %get3A_581 = arith.index_cast %scan3A_550 : i32 to index
      %get3A_582 = arith.constant 0 : index
      %get3A_583 = tpu.vector_load %arg18[%get3A_580, %get3A_581, %get3A_582] {strides = array<i32>} : memref<2x128x128xf32, #tpu.memory_space<vmem>>, vector<16xf32>,
      %select_n3A_584 = arith.select %ne3A_560, %get3A_578, %get3A_583 : vector<16xi1>, vector<16xf32>
      %get3A_585 = arith.constant 1 : i32
      %get3A_586 = arith.index_cast %get3A_585 : i32 to index
      %get3A_587 = arith.index_cast %scan3A_550 : i32 to index
      %get3A_588 = arith.constant 64 : index
      %get3A_589 = tpu.vector_load %arg19[%get3A_586, %get3A_587, %get3A_588] {strides = array<i32>} : memref<2x128x128xf32, #tpu.memory_space<vmem>>, vector<16xf32>,
      %get3A_590 = arith.constant 1 : i32
      %get3A_591 = arith.index_cast %get3A_590 : i32 to index
      %get3A_592 = arith.index_cast %scan3A_550 : i32 to index
      %get3A_593 = arith.constant 0 : index
      %get3A_594 = tpu.vector_load %arg19[%get3A_591, %get3A_592, %get3A_593] {strides = array<i32>} : memref<2x128x128xf32, #tpu.memory_space<vmem>>, vector<16xf32>,
      %select_n3A_595 = arith.select %ne3A_564, %get3A_589, %get3A_594 : vector<16xi1>, vector<16xf32>
      %add3A_596 = arith.addf %select_n3A, %select_n3A_584 : vector<16xf32>
      %sub3A_597 = arith.subf %add3A_596, %select_n3A_595 : vector<16xf32>
      %abs3A = math.absf %sub3A_597 : vector<16xf32>
      %get3A_598 = arith.constant 1 : i32
      %get3A_599 = arith.index_cast %get3A_598 : i32 to index
      %get3A_600 = arith.index_cast %scan3A_550 : i32 to index
      %get3A_601 = arith.constant 80 : index
      %get3A_602 = tpu.vector_load %arg17[%get3A_599, %get3A_600, %get3A_601] {strides = array<i32>} : memref<2x128x128xf32, #tpu.memory_space<vmem>>, vector<16xf32>,
      %get3A_603 = arith.constant 1 : i32
      %get3A_604 = arith.index_cast %get3A_603 : i32 to index
      %get3A_605 = arith.index_cast %scan3A_550 : i32 to index
      %get3A_606 = arith.constant 16 : index
      %get3A_607 = tpu.vector_load %arg17[%get3A_604, %get3A_605, %get3A_606] {strides = array<i32>} : memref<2x128x128xf32, #tpu.memory_space<vmem>>, vector<16xf32>,
      %select_n3A_608 = arith.select %ne3A_556, %get3A_602, %get3A_607 : vector<16xi1>, vector<16xf32>
      %get3A_609 = arith.constant 1 : i32
      %get3A_610 = arith.index_cast %get3A_609 : i32 to index
      %get3A_611 = arith.index_cast %scan3A_550 : i32 to index
      %get3A_612 = arith.constant 80 : index
      %get3A_613 = tpu.vector_load %arg18[%get3A_610, %get3A_611, %get3A_612] {strides = array<i32>} : memref<2x128x128xf32, #tpu.memory_space<vmem>>, vector<16xf32>,
      %get3A_614 = arith.constant 1 : i32
      %get3A_615 = arith.index_cast %get3A_614 : i32 to index
      %get3A_616 = arith.index_cast %scan3A_550 : i32 to index
      %get3A_617 = arith.constant 16 : index
      %get3A_618 = tpu.vector_load %arg18[%get3A_615, %get3A_616, %get3A_617] {strides = array<i32>} : memref<2x128x128xf32, #tpu.memory_space<vmem>>, vector<16xf32>,
      %select_n3A_619 = arith.select %ne3A_560, %get3A_613, %get3A_618 : vector<16xi1>, vector<16xf32>
      %get3A_620 = arith.constant 1 : i32
      %get3A_621 = arith.index_cast %get3A_620 : i32 to index
      %get3A_622 = arith.index_cast %scan3A_550 : i32 to index
      %get3A_623 = arith.constant 80 : index
      %get3A_624 = tpu.vector_load %arg19[%get3A_621, %get3A_622, %get3A_623] {strides = array<i32>} : memref<2x128x128xf32, #tpu.memory_space<vmem>>, vector<16xf32>,
      %get3A_625 = arith.constant 1 : i32
      %get3A_626 = arith.index_cast %get3A_625 : i32 to index
      %get3A_627 = arith.index_cast %scan3A_550 : i32 to index
      %get3A_628 = arith.constant 16 : index
      %get3A_629 = tpu.vector_load %arg19[%get3A_626, %get3A_627, %get3A_628] {strides = array<i32>} : memref<2x128x128xf32, #tpu.memory_space<vmem>>, vector<16xf32>,
      %select_n3A_630 = arith.select %ne3A_564, %get3A_624, %get3A_629 : vector<16xi1>, vector<16xf32>
      %add3A_631 = arith.addf %select_n3A_608, %select_n3A_619 : vector<16xf32>
      %sub3A_632 = arith.subf %add3A_631, %select_n3A_630 : vector<16xf32>
      %abs3A_633 = math.absf %sub3A_632 : vector<16xf32>
      %add3A_634 = arith.addf %abs3A, %abs3A_633 : vector<16xf32>
      %get3A_635 = arith.constant 1 : i32
      %get3A_636 = arith.index_cast %get3A_635 : i32 to index
      %get3A_637 = arith.index_cast %scan3A_550 : i32 to index
      %get3A_638 = arith.constant 96 : index
      %get3A_639 = tpu.vector_load %arg17[%get3A_636, %get3A_637, %get3A_638] {strides = array<i32>} : memref<2x128x128xf32, #tpu.memory_space<vmem>>, vector<16xf32>,
      %get3A_640 = arith.constant 1 : i32
      %get3A_641 = arith.index_cast %get3A_640 : i32 to index
      %get3A_642 = arith.index_cast %scan3A_550 : i32 to index
      %get3A_643 = arith.constant 32 : index
      %get3A_644 = tpu.vector_load %arg17[%get3A_641, %get3A_642, %get3A_643] {strides = array<i32>} : memref<2x128x128xf32, #tpu.memory_space<vmem>>, vector<16xf32>,
      %select_n3A_645 = arith.select %ne3A_556, %get3A_639, %get3A_644 : vector<16xi1>, vector<16xf32>
      %get3A_646 = arith.constant 1 : i32
      %get3A_647 = arith.index_cast %get3A_646 : i32 to index
      %get3A_648 = arith.index_cast %scan3A_550 : i32 to index
      %get3A_649 = arith.constant 96 : index
      %get3A_650 = tpu.vector_load %arg18[%get3A_647, %get3A_648, %get3A_649] {strides = array<i32>} : memref<2x128x128xf32, #tpu.memory_space<vmem>>, vector<16xf32>,
      %get3A_651 = arith.constant 1 : i32
      %get3A_652 = arith.index_cast %get3A_651 : i32 to index
      %get3A_653 = arith.index_cast %scan3A_550 : i32 to index
      %get3A_654 = arith.constant 32 : index
      %get3A_655 = tpu.vector_load %arg18[%get3A_652, %get3A_653, %get3A_654] {strides = array<i32>} : memref<2x128x128xf32, #tpu.memory_space<vmem>>, vector<16xf32>,
      %select_n3A_656 = arith.select %ne3A_560, %get3A_650, %get3A_655 : vector<16xi1>, vector<16xf32>
      %get3A_657 = arith.constant 1 : i32
      %get3A_658 = arith.index_cast %get3A_657 : i32 to index
      %get3A_659 = arith.index_cast %scan3A_550 : i32 to index
      %get3A_660 = arith.constant 96 : index
      %get3A_661 = tpu.vector_load %arg19[%get3A_658, %get3A_659, %get3A_660] {strides = array<i32>} : memref<2x128x128xf32, #tpu.memory_space<vmem>>, vector<16xf32>,
      %get3A_662 = arith.constant 1 : i32
      %get3A_663 = arith.index_cast %get3A_662 : i32 to index
      %get3A_664 = arith.index_cast %scan3A_550 : i32 to index
      %get3A_665 = arith.constant 32 : index
      %get3A_666 = tpu.vector_load %arg19[%get3A_663, %get3A_664, %get3A_665] {strides = array<i32>} : memref<2x128x128xf32, #tpu.memory_space<vmem>>, vector<16xf32>,
      %select_n3A_667 = arith.select %ne3A_564, %get3A_661, %get3A_666 : vector<16xi1>, vector<16xf32>
      %add3A_668 = arith.addf %select_n3A_645, %select_n3A_656 : vector<16xf32>
      %sub3A_669 = arith.subf %add3A_668, %select_n3A_667 : vector<16xf32>
      %abs3A_670 = math.absf %sub3A_669 : vector<16xf32>
      %add3A_671 = arith.addf %add3A_634, %abs3A_670 : vector<16xf32>
      %get3A_672 = arith.constant 1 : i32
      %get3A_673 = arith.index_cast %get3A_672 : i32 to index
      %get3A_674 = arith.index_cast %scan3A_550 : i32 to index
      %get3A_675 = arith.constant 112 : index
      %get3A_676 = tpu.vector_load %arg17[%get3A_673, %get3A_674, %get3A_675] {strides = array<i32>} : memref<2x128x128xf32, #tpu.memory_space<vmem>>, vector<16xf32>,
      %get3A_677 = arith.constant 1 : i32
      %get3A_678 = arith.index_cast %get3A_677 : i32 to index
      %get3A_679 = arith.index_cast %scan3A_550 : i32 to index
      %get3A_680 = arith.constant 48 : index
      %get3A_681 = tpu.vector_load %arg17[%get3A_678, %get3A_679, %get3A_680] {strides = array<i32>} : memref<2x128x128xf32, #tpu.memory_space<vmem>>, vector<16xf32>,
      %select_n3A_682 = arith.select %ne3A_556, %get3A_676, %get3A_681 : vector<16xi1>, vector<16xf32>
      %get3A_683 = arith.constant 1 : i32
      %get3A_684 = arith.index_cast %get3A_683 : i32 to index
      %get3A_685 = arith.index_cast %scan3A_550 : i32 to index
      %get3A_686 = arith.constant 112 : index
      %get3A_687 = tpu.vector_load %arg18[%get3A_684, %get3A_685, %get3A_686] {strides = array<i32>} : memref<2x128x128xf32, #tpu.memory_space<vmem>>, vector<16xf32>,
      %get3A_688 = arith.constant 1 : i32
      %get3A_689 = arith.index_cast %get3A_688 : i32 to index
      %get3A_690 = arith.index_cast %scan3A_550 : i32 to index
      %get3A_691 = arith.constant 48 : index
      %get3A_692 = tpu.vector_load %arg18[%get3A_689, %get3A_690, %get3A_691] {strides = array<i32>} : memref<2x128x128xf32, #tpu.memory_space<vmem>>, vector<16xf32>,
      %select_n3A_693 = arith.select %ne3A_560, %get3A_687, %get3A_692 : vector<16xi1>, vector<16xf32>
      %get3A_694 = arith.constant 1 : i32
      %get3A_695 = arith.index_cast %get3A_694 : i32 to index
      %get3A_696 = arith.index_cast %scan3A_550 : i32 to index
      %get3A_697 = arith.constant 112 : index
      %get3A_698 = tpu.vector_load %arg19[%get3A_695, %get3A_696, %get3A_697] {strides = array<i32>} : memref<2x128x128xf32, #tpu.memory_space<vmem>>, vector<16xf32>,
      %get3A_699 = arith.constant 1 : i32
      %get3A_700 = arith.index_cast %get3A_699 : i32 to index
      %get3A_701 = arith.index_cast %scan3A_550 : i32 to index
      %get3A_702 = arith.constant 48 : index
      %get3A_703 = tpu.vector_load %arg19[%get3A_700, %get3A_701, %get3A_702] {strides = array<i32>} : memref<2x128x128xf32, #tpu.memory_space<vmem>>, vector<16xf32>,
      %select_n3A_704 = arith.select %ne3A_564, %get3A_698, %get3A_703 : vector<16xi1>, vector<16xf32>
      %add3A_705 = arith.addf %select_n3A_682, %select_n3A_693 : vector<16xf32>
      %sub3A_706 = arith.subf %add3A_705, %select_n3A_704 : vector<16xf32>
      %abs3A_707 = math.absf %sub3A_706 : vector<16xf32>
      %add3A_708 = arith.addf %add3A_671, %abs3A_707 : vector<16xf32>
      %broadcast_in_dim3A_709 = arith.constant true
      %broadcast_in_dim3A_710 = vector.broadcast %broadcast_in_dim3A_709 : i1 to vector<16xi1>
      %masked_cumsum3A = tpu.scan <sum>, %add3A_708 masked %broadcast_in_dim3A_710 : vector<16xf32>, vector<16xi1> -> vector<16xf32>
      %swap3A_711 = arith.index_cast %add3A_552 : i32 to index
      %swap3A_712 = arith.constant 0 : index
      %swap3A_713 = tpu.vector_load %arg20[%swap3A_711, %swap3A_712] {strides = array<i32>} : memref<512x16xf32, #tpu.memory_space<vmem>>, vector<16xf32>,
      tpu.vector_store %arg20[%swap3A_711, %swap3A_712], %masked_cumsum3A {strides = array<i32>} : memref<512x16xf32, #tpu.memory_space<vmem>>, vector<16xf32>,
    }
    %scan3A_161 = arith.constant 128 : i32
    %dma_start3A_162 = arith.constant 1 : i32
    %dma_start3A_163 = arith.constant 0 : i32
    %dma_start3A_164 = arith.constant 0 : i32
    %dma_start3A_165 = tpu.memref_slice %arg17[%dma_start3A_162, %dma_start3A_163, %dma_start3A_164] : memref<2x128x128xf32, #tpu.memory_space<vmem>> -> memref<1x128x128xf32, #tpu.memory_space<vmem>>
    %dma_start3A_166 = tpu.memref_squeeze %dma_start3A_165 : memref<1x128x128xf32, #tpu.memory_space<vmem>> -> memref<128x128xf32, #tpu.memory_space<vmem>>
    %dma_start3A_167 = arith.constant 384 : i32
    %dma_start3A_168 = tpu.memref_slice %arg11[%dma_start3A_167] : memref<512xi32, #tpu.memory_space<vmem>> -> memref<128xi32, #tpu.memory_space<vmem>>
    %dma_start3A_169 = arith.constant 0 : i32
    %dma_start3A_170 = arith.constant 0 : i32
    %dma_start3A_171 = tpu.memref_slice %arg8[%dma_start3A_169, %dma_start3A_170] : memref<507904x128xf32, #tpu.memory_space<hbm>> -> memref<507904x128xf32, #tpu.memory_space<hbm>>
    tpu.enqueue_indirect_dma source(%dma_start3A_171 : memref<507904x128xf32, #tpu.memory_space<hbm>>) target(%dma_start3A_166 : memref<128x128xf32, #tpu.memory_space<vmem>>) offsets(%dma_start3A_168 : memref<128xi32, #tpu.memory_space<vmem>>) semaphore(%arg23 : memref<!tpu.dma_semaphore, #tpu.memory_space<semaphore_mem>>)
    %dma_start3A_172 = arith.constant 1 : i32
    %dma_start3A_173 = arith.constant 0 : i32
    %dma_start3A_174 = arith.constant 0 : i32
    %dma_start3A_175 = tpu.memref_slice %arg18[%dma_start3A_172, %dma_start3A_173, %dma_start3A_174] : memref<2x128x128xf32, #tpu.memory_space<vmem>> -> memref<1x128x128xf32, #tpu.memory_space<vmem>>
    %dma_start3A_176 = tpu.memref_squeeze %dma_start3A_175 : memref<1x128x128xf32, #tpu.memory_space<vmem>> -> memref<128x128xf32, #tpu.memory_space<vmem>>
    %dma_start3A_177 = arith.constant 384 : i32
    %dma_start3A_178 = tpu.memref_slice %arg12[%dma_start3A_177] : memref<512xi32, #tpu.memory_space<vmem>> -> memref<128xi32, #tpu.memory_space<vmem>>
    %dma_start3A_179 = arith.constant 0 : i32
    %dma_start3A_180 = arith.constant 0 : i32
    %dma_start3A_181 = tpu.memref_slice %arg9[%dma_start3A_179, %dma_start3A_180] : memref<507904x128xf32, #tpu.memory_space<hbm>> -> memref<507904x128xf32, #tpu.memory_space<hbm>>
    tpu.enqueue_indirect_dma source(%dma_start3A_181 : memref<507904x128xf32, #tpu.memory_space<hbm>>) target(%dma_start3A_176 : memref<128x128xf32, #tpu.memory_space<vmem>>) offsets(%dma_start3A_178 : memref<128xi32, #tpu.memory_space<vmem>>) semaphore(%arg23 : memref<!tpu.dma_semaphore, #tpu.memory_space<semaphore_mem>>)
    %dma_start3A_182 = arith.constant 1 : i32
    %dma_start3A_183 = arith.constant 0 : i32
    %dma_start3A_184 = arith.constant 0 : i32
    %dma_start3A_185 = tpu.memref_slice %arg19[%dma_start3A_182, %dma_start3A_183, %dma_start3A_184] : memref<2x128x128xf32, #tpu.memory_space<vmem>> -> memref<1x128x128xf32, #tpu.memory_space<vmem>>
    %dma_start3A_186 = tpu.memref_squeeze %dma_start3A_185 : memref<1x128x128xf32, #tpu.memory_space<vmem>> -> memref<128x128xf32, #tpu.memory_space<vmem>>
    %dma_start3A_187 = arith.constant 384 : i32
    %dma_start3A_188 = tpu.memref_slice %arg13[%dma_start3A_187] : memref<512xi32, #tpu.memory_space<vmem>> -> memref<128xi32, #tpu.memory_space<vmem>>
    %dma_start3A_189 = arith.constant 0 : i32
    %dma_start3A_190 = arith.constant 0 : i32
    %dma_start3A_191 = tpu.memref_slice %arg8[%dma_start3A_189, %dma_start3A_190] : memref<507904x128xf32, #tpu.memory_space<hbm>> -> memref<507904x128xf32, #tpu.memory_space<hbm>>
    tpu.enqueue_indirect_dma source(%dma_start3A_191 : memref<507904x128xf32, #tpu.memory_space<hbm>>) target(%dma_start3A_186 : memref<128x128xf32, #tpu.memory_space<vmem>>) offsets(%dma_start3A_188 : memref<128xi32, #tpu.memory_space<vmem>>) semaphore(%arg23 : memref<!tpu.dma_semaphore, #tpu.memory_space<semaphore_mem>>)
    %dma_wait3A_192 = arith.constant 0 : i32
    %dma_wait3A_193 = arith.constant 0 : i32
    %dma_wait3A_194 = arith.constant 0 : i32
    %dma_wait3A_195 = tpu.memref_slice %arg17[%dma_wait3A_192, %dma_wait3A_193, %dma_wait3A_194] : memref<2x128x128xf32, #tpu.memory_space<vmem>> -> memref<1x128x128xf32, #tpu.memory_space<vmem>>
    %dma_wait3A_196 = tpu.memref_squeeze %dma_wait3A_195 : memref<1x128x128xf32, #tpu.memory_space<vmem>> -> memref<128x128xf32, #tpu.memory_space<vmem>>
    %dma_wait3A_197 = arith.constant 256 : i32
    %dma_wait3A_198 = tpu.memref_slice %arg11[%dma_wait3A_197] : memref<512xi32, #tpu.memory_space<vmem>> -> memref<128xi32, #tpu.memory_space<vmem>>
    %dma_wait3A_199 = arith.constant 0 : i32
    %dma_wait3A_200 = arith.constant 0 : i32
    %dma_wait3A_201 = tpu.memref_slice %arg8[%dma_wait3A_199, %dma_wait3A_200] : memref<507904x128xf32, #tpu.memory_space<hbm>> -> memref<507904x128xf32, #tpu.memory_space<hbm>>
    tpu.wait_indirect_dma semaphore(%arg22 : memref<!tpu.dma_semaphore, #tpu.memory_space<semaphore_mem>>) src(%dma_wait3A_201 : memref<507904x128xf32, #tpu.memory_space<hbm>>) dst(%dma_wait3A_196 : memref<128x128xf32, #tpu.memory_space<vmem>>)
    %dma_wait3A_202 = arith.constant 0 : i32
    %dma_wait3A_203 = arith.constant 0 : i32
    %dma_wait3A_204 = arith.constant 0 : i32
    %dma_wait3A_205 = tpu.memref_slice %arg18[%dma_wait3A_202, %dma_wait3A_203, %dma_wait3A_204] : memref<2x128x128xf32, #tpu.memory_space<vmem>> -> memref<1x128x128xf32, #tpu.memory_space<vmem>>
    %dma_wait3A_206 = tpu.memref_squeeze %dma_wait3A_205 : memref<1x128x128xf32, #tpu.memory_space<vmem>> -> memref<128x128xf32, #tpu.memory_space<vmem>>
    %dma_wait3A_207 = arith.constant 256 : i32
    %dma_wait3A_208 = tpu.memref_slice %arg12[%dma_wait3A_207] : memref<512xi32, #tpu.memory_space<vmem>> -> memref<128xi32, #tpu.memory_space<vmem>>
    %dma_wait3A_209 = arith.constant 0 : i32
    %dma_wait3A_210 = arith.constant 0 : i32
    %dma_wait3A_211 = tpu.memref_slice %arg9[%dma_wait3A_209, %dma_wait3A_210] : memref<507904x128xf32, #tpu.memory_space<hbm>> -> memref<507904x128xf32, #tpu.memory_space<hbm>>
    tpu.wait_indirect_dma semaphore(%arg22 : memref<!tpu.dma_semaphore, #tpu.memory_space<semaphore_mem>>) src(%dma_wait3A_211 : memref<507904x128xf32, #tpu.memory_space<hbm>>) dst(%dma_wait3A_206 : memref<128x128xf32, #tpu.memory_space<vmem>>)
    %dma_wait3A_212 = arith.constant 0 : i32
    %dma_wait3A_213 = arith.constant 0 : i32
    %dma_wait3A_214 = arith.constant 0 : i32
    %dma_wait3A_215 = tpu.memref_slice %arg19[%dma_wait3A_212, %dma_wait3A_213, %dma_wait3A_214] : memref<2x128x128xf32, #tpu.memory_space<vmem>> -> memref<1x128x128xf32, #tpu.memory_space<vmem>>
    %dma_wait3A_216 = tpu.memref_squeeze %dma_wait3A_215 : memref<1x128x128xf32, #tpu.memory_space<vmem>> -> memref<128x128xf32, #tpu.memory_space<vmem>>
    %dma_wait3A_217 = arith.constant 256 : i32
    %dma_wait3A_218 = tpu.memref_slice %arg13[%dma_wait3A_217] : memref<512xi32, #tpu.memory_space<vmem>> -> memref<128xi32, #tpu.memory_space<vmem>>
    %dma_wait3A_219 = arith.constant 0 : i32
    %dma_wait3A_220 = arith.constant 0 : i32
    %dma_wait3A_221 = tpu.memref_slice %arg8[%dma_wait3A_219, %dma_wait3A_220] : memref<507904x128xf32, #tpu.memory_space<hbm>> -> memref<507904x128xf32, #tpu.memory_space<hbm>>
    tpu.wait_indirect_dma semaphore(%arg22 : memref<!tpu.dma_semaphore, #tpu.memory_space<semaphore_mem>>) src(%dma_wait3A_221 : memref<507904x128xf32, #tpu.memory_space<hbm>>) dst(%dma_wait3A_216 : memref<128x128xf32, #tpu.memory_space<vmem>>)
    %scan3A_222 = arith.constant 0 : i32
    %scan3A_223 = arith.constant 0 : i32
    %scan3A_224 = arith.constant 128 : i32
    %scan3A_225 = arith.addi %scan3A_223, %scan3A_224 : i32
    %scan3A_226 = arith.constant 1 : i32
    scf.for %scan3A_550 = %scan3A_223 to %scan3A_225 step %scan3A_226  : i32 {
      %add3A_551 = arith.constant 256 : i32
      %add3A_552 = arith.addi %add3A_551, %scan3A_550 : i32
      %broadcast_in_dim3A_553 = vector.broadcast %add3A_552 : i32 to vector<16xi32>
      %gather3A_554 = tpu.vector_load_idx %arg14[%broadcast_in_dim3A_553] : memref<512xi32, #tpu.memory_space<vmem>>[vector<16xi32>], vector<16xi32>,
      %ne3A = arith.constant 0 : i32
      %ne3A_555 = vector.broadcast %ne3A : i32 to vector<16xi32>
      %ne3A_556 = arith.cmpi ne, %gather3A_554, %ne3A_555 : vector<16xi32>
      %gather3A_557 = tpu.vector_load_idx %arg15[%broadcast_in_dim3A_553] : memref<512xi32, #tpu.memory_space<vmem>>[vector<16xi32>], vector<16xi32>,
      %ne3A_558 = arith.constant 0 : i32
      %ne3A_559 = vector.broadcast %ne3A_558 : i32 to vector<16xi32>
      %ne3A_560 = arith.cmpi ne, %gather3A_557, %ne3A_559 : vector<16xi32>
      %gather3A_561 = tpu.vector_load_idx %arg16[%broadcast_in_dim3A_553] : memref<512xi32, #tpu.memory_space<vmem>>[vector<16xi32>], vector<16xi32>,
      %ne3A_562 = arith.constant 0 : i32
      %ne3A_563 = vector.broadcast %ne3A_562 : i32 to vector<16xi32>
      %ne3A_564 = arith.cmpi ne, %gather3A_561, %ne3A_563 : vector<16xi32>
      %get3A = arith.constant 0 : i32
      %get3A_565 = arith.index_cast %get3A : i32 to index
      %get3A_566 = arith.index_cast %scan3A_550 : i32 to index
      %get3A_567 = arith.constant 64 : index
      %get3A_568 = tpu.vector_load %arg17[%get3A_565, %get3A_566, %get3A_567] {strides = array<i32>} : memref<2x128x128xf32, #tpu.memory_space<vmem>>, vector<16xf32>,
      %get3A_569 = arith.constant 0 : i32
      %get3A_570 = arith.index_cast %get3A_569 : i32 to index
      %get3A_571 = arith.index_cast %scan3A_550 : i32 to index
      %get3A_572 = arith.constant 0 : index
      %get3A_573 = tpu.vector_load %arg17[%get3A_570, %get3A_571, %get3A_572] {strides = array<i32>} : memref<2x128x128xf32, #tpu.memory_space<vmem>>, vector<16xf32>,
      %select_n3A = arith.select %ne3A_556, %get3A_568, %get3A_573 : vector<16xi1>, vector<16xf32>
      %get3A_574 = arith.constant 0 : i32
      %get3A_575 = arith.index_cast %get3A_574 : i32 to index
      %get3A_576 = arith.index_cast %scan3A_550 : i32 to index
      %get3A_577 = arith.constant 64 : index
      %get3A_578 = tpu.vector_load %arg18[%get3A_575, %get3A_576, %get3A_577] {strides = array<i32>} : memref<2x128x128xf32, #tpu.memory_space<vmem>>, vector<16xf32>,
      %get3A_579 = arith.constant 0 : i32
      %get3A_580 = arith.index_cast %get3A_579 : i32 to index
      %get3A_581 = arith.index_cast %scan3A_550 : i32 to index
      %get3A_582 = arith.constant 0 : index
      %get3A_583 = tpu.vector_load %arg18[%get3A_580, %get3A_581, %get3A_582] {strides = array<i32>} : memref<2x128x128xf32, #tpu.memory_space<vmem>>, vector<16xf32>,
      %select_n3A_584 = arith.select %ne3A_560, %get3A_578, %get3A_583 : vector<16xi1>, vector<16xf32>
      %get3A_585 = arith.constant 0 : i32
      %get3A_586 = arith.index_cast %get3A_585 : i32 to index
      %get3A_587 = arith.index_cast %scan3A_550 : i32 to index
      %get3A_588 = arith.constant 64 : index
      %get3A_589 = tpu.vector_load %arg19[%get3A_586, %get3A_587, %get3A_588] {strides = array<i32>} : memref<2x128x128xf32, #tpu.memory_space<vmem>>, vector<16xf32>,
      %get3A_590 = arith.constant 0 : i32
      %get3A_591 = arith.index_cast %get3A_590 : i32 to index
      %get3A_592 = arith.index_cast %scan3A_550 : i32 to index
      %get3A_593 = arith.constant 0 : index
      %get3A_594 = tpu.vector_load %arg19[%get3A_591, %get3A_592, %get3A_593] {strides = array<i32>} : memref<2x128x128xf32, #tpu.memory_space<vmem>>, vector<16xf32>,
      %select_n3A_595 = arith.select %ne3A_564, %get3A_589, %get3A_594 : vector<16xi1>, vector<16xf32>
      %add3A_596 = arith.addf %select_n3A, %select_n3A_584 : vector<16xf32>
      %sub3A_597 = arith.subf %add3A_596, %select_n3A_595 : vector<16xf32>
      %abs3A = math.absf %sub3A_597 : vector<16xf32>
      %get3A_598 = arith.constant 0 : i32
      %get3A_599 = arith.index_cast %get3A_598 : i32 to index
      %get3A_600 = arith.index_cast %scan3A_550 : i32 to index
      %get3A_601 = arith.constant 80 : index
      %get3A_602 = tpu.vector_load %arg17[%get3A_599, %get3A_600, %get3A_601] {strides = array<i32>} : memref<2x128x128xf32, #tpu.memory_space<vmem>>, vector<16xf32>,
      %get3A_603 = arith.constant 0 : i32
      %get3A_604 = arith.index_cast %get3A_603 : i32 to index
      %get3A_605 = arith.index_cast %scan3A_550 : i32 to index
      %get3A_606 = arith.constant 16 : index
      %get3A_607 = tpu.vector_load %arg17[%get3A_604, %get3A_605, %get3A_606] {strides = array<i32>} : memref<2x128x128xf32, #tpu.memory_space<vmem>>, vector<16xf32>,
      %select_n3A_608 = arith.select %ne3A_556, %get3A_602, %get3A_607 : vector<16xi1>, vector<16xf32>
      %get3A_609 = arith.constant 0 : i32
      %get3A_610 = arith.index_cast %get3A_609 : i32 to index
      %get3A_611 = arith.index_cast %scan3A_550 : i32 to index
      %get3A_612 = arith.constant 80 : index
      %get3A_613 = tpu.vector_load %arg18[%get3A_610, %get3A_611, %get3A_612] {strides = array<i32>} : memref<2x128x128xf32, #tpu.memory_space<vmem>>, vector<16xf32>,
      %get3A_614 = arith.constant 0 : i32
      %get3A_615 = arith.index_cast %get3A_614 : i32 to index
      %get3A_616 = arith.index_cast %scan3A_550 : i32 to index
      %get3A_617 = arith.constant 16 : index
      %get3A_618 = tpu.vector_load %arg18[%get3A_615, %get3A_616, %get3A_617] {strides = array<i32>} : memref<2x128x128xf32, #tpu.memory_space<vmem>>, vector<16xf32>,
      %select_n3A_619 = arith.select %ne3A_560, %get3A_613, %get3A_618 : vector<16xi1>, vector<16xf32>
      %get3A_620 = arith.constant 0 : i32
      %get3A_621 = arith.index_cast %get3A_620 : i32 to index
      %get3A_622 = arith.index_cast %scan3A_550 : i32 to index
      %get3A_623 = arith.constant 80 : index
      %get3A_624 = tpu.vector_load %arg19[%get3A_621, %get3A_622, %get3A_623] {strides = array<i32>} : memref<2x128x128xf32, #tpu.memory_space<vmem>>, vector<16xf32>,
      %get3A_625 = arith.constant 0 : i32
      %get3A_626 = arith.index_cast %get3A_625 : i32 to index
      %get3A_627 = arith.index_cast %scan3A_550 : i32 to index
      %get3A_628 = arith.constant 16 : index
      %get3A_629 = tpu.vector_load %arg19[%get3A_626, %get3A_627, %get3A_628] {strides = array<i32>} : memref<2x128x128xf32, #tpu.memory_space<vmem>>, vector<16xf32>,
      %select_n3A_630 = arith.select %ne3A_564, %get3A_624, %get3A_629 : vector<16xi1>, vector<16xf32>
      %add3A_631 = arith.addf %select_n3A_608, %select_n3A_619 : vector<16xf32>
      %sub3A_632 = arith.subf %add3A_631, %select_n3A_630 : vector<16xf32>
      %abs3A_633 = math.absf %sub3A_632 : vector<16xf32>
      %add3A_634 = arith.addf %abs3A, %abs3A_633 : vector<16xf32>
      %get3A_635 = arith.constant 0 : i32
      %get3A_636 = arith.index_cast %get3A_635 : i32 to index
      %get3A_637 = arith.index_cast %scan3A_550 : i32 to index
      %get3A_638 = arith.constant 96 : index
      %get3A_639 = tpu.vector_load %arg17[%get3A_636, %get3A_637, %get3A_638] {strides = array<i32>} : memref<2x128x128xf32, #tpu.memory_space<vmem>>, vector<16xf32>,
      %get3A_640 = arith.constant 0 : i32
      %get3A_641 = arith.index_cast %get3A_640 : i32 to index
      %get3A_642 = arith.index_cast %scan3A_550 : i32 to index
      %get3A_643 = arith.constant 32 : index
      %get3A_644 = tpu.vector_load %arg17[%get3A_641, %get3A_642, %get3A_643] {strides = array<i32>} : memref<2x128x128xf32, #tpu.memory_space<vmem>>, vector<16xf32>,
      %select_n3A_645 = arith.select %ne3A_556, %get3A_639, %get3A_644 : vector<16xi1>, vector<16xf32>
      %get3A_646 = arith.constant 0 : i32
      %get3A_647 = arith.index_cast %get3A_646 : i32 to index
      %get3A_648 = arith.index_cast %scan3A_550 : i32 to index
      %get3A_649 = arith.constant 96 : index
      %get3A_650 = tpu.vector_load %arg18[%get3A_647, %get3A_648, %get3A_649] {strides = array<i32>} : memref<2x128x128xf32, #tpu.memory_space<vmem>>, vector<16xf32>,
      %get3A_651 = arith.constant 0 : i32
      %get3A_652 = arith.index_cast %get3A_651 : i32 to index
      %get3A_653 = arith.index_cast %scan3A_550 : i32 to index
      %get3A_654 = arith.constant 32 : index
      %get3A_655 = tpu.vector_load %arg18[%get3A_652, %get3A_653, %get3A_654] {strides = array<i32>} : memref<2x128x128xf32, #tpu.memory_space<vmem>>, vector<16xf32>,
      %select_n3A_656 = arith.select %ne3A_560, %get3A_650, %get3A_655 : vector<16xi1>, vector<16xf32>
      %get3A_657 = arith.constant 0 : i32
      %get3A_658 = arith.index_cast %get3A_657 : i32 to index
      %get3A_659 = arith.index_cast %scan3A_550 : i32 to index
      %get3A_660 = arith.constant 96 : index
      %get3A_661 = tpu.vector_load %arg19[%get3A_658, %get3A_659, %get3A_660] {strides = array<i32>} : memref<2x128x128xf32, #tpu.memory_space<vmem>>, vector<16xf32>,
      %get3A_662 = arith.constant 0 : i32
      %get3A_663 = arith.index_cast %get3A_662 : i32 to index
      %get3A_664 = arith.index_cast %scan3A_550 : i32 to index
      %get3A_665 = arith.constant 32 : index
      %get3A_666 = tpu.vector_load %arg19[%get3A_663, %get3A_664, %get3A_665] {strides = array<i32>} : memref<2x128x128xf32, #tpu.memory_space<vmem>>, vector<16xf32>,
      %select_n3A_667 = arith.select %ne3A_564, %get3A_661, %get3A_666 : vector<16xi1>, vector<16xf32>
      %add3A_668 = arith.addf %select_n3A_645, %select_n3A_656 : vector<16xf32>
      %sub3A_669 = arith.subf %add3A_668, %select_n3A_667 : vector<16xf32>
      %abs3A_670 = math.absf %sub3A_669 : vector<16xf32>
      %add3A_671 = arith.addf %add3A_634, %abs3A_670 : vector<16xf32>
      %get3A_672 = arith.constant 0 : i32
      %get3A_673 = arith.index_cast %get3A_672 : i32 to index
      %get3A_674 = arith.index_cast %scan3A_550 : i32 to index
      %get3A_675 = arith.constant 112 : index
      %get3A_676 = tpu.vector_load %arg17[%get3A_673, %get3A_674, %get3A_675] {strides = array<i32>} : memref<2x128x128xf32, #tpu.memory_space<vmem>>, vector<16xf32>,
      %get3A_677 = arith.constant 0 : i32
      %get3A_678 = arith.index_cast %get3A_677 : i32 to index
      %get3A_679 = arith.index_cast %scan3A_550 : i32 to index
      %get3A_680 = arith.constant 48 : index
      %get3A_681 = tpu.vector_load %arg17[%get3A_678, %get3A_679, %get3A_680] {strides = array<i32>} : memref<2x128x128xf32, #tpu.memory_space<vmem>>, vector<16xf32>,
      %select_n3A_682 = arith.select %ne3A_556, %get3A_676, %get3A_681 : vector<16xi1>, vector<16xf32>
      %get3A_683 = arith.constant 0 : i32
      %get3A_684 = arith.index_cast %get3A_683 : i32 to index
      %get3A_685 = arith.index_cast %scan3A_550 : i32 to index
      %get3A_686 = arith.constant 112 : index
      %get3A_687 = tpu.vector_load %arg18[%get3A_684, %get3A_685, %get3A_686] {strides = array<i32>} : memref<2x128x128xf32, #tpu.memory_space<vmem>>, vector<16xf32>,
      %get3A_688 = arith.constant 0 : i32
      %get3A_689 = arith.index_cast %get3A_688 : i32 to index
      %get3A_690 = arith.index_cast %scan3A_550 : i32 to index
      %get3A_691 = arith.constant 48 : index
      %get3A_692 = tpu.vector_load %arg18[%get3A_689, %get3A_690, %get3A_691] {strides = array<i32>} : memref<2x128x128xf32, #tpu.memory_space<vmem>>, vector<16xf32>,
      %select_n3A_693 = arith.select %ne3A_560, %get3A_687, %get3A_692 : vector<16xi1>, vector<16xf32>
      %get3A_694 = arith.constant 0 : i32
      %get3A_695 = arith.index_cast %get3A_694 : i32 to index
      %get3A_696 = arith.index_cast %scan3A_550 : i32 to index
      %get3A_697 = arith.constant 112 : index
      %get3A_698 = tpu.vector_load %arg19[%get3A_695, %get3A_696, %get3A_697] {strides = array<i32>} : memref<2x128x128xf32, #tpu.memory_space<vmem>>, vector<16xf32>,
      %get3A_699 = arith.constant 0 : i32
      %get3A_700 = arith.index_cast %get3A_699 : i32 to index
      %get3A_701 = arith.index_cast %scan3A_550 : i32 to index
      %get3A_702 = arith.constant 48 : index
      %get3A_703 = tpu.vector_load %arg19[%get3A_700, %get3A_701, %get3A_702] {strides = array<i32>} : memref<2x128x128xf32, #tpu.memory_space<vmem>>, vector<16xf32>,
      %select_n3A_704 = arith.select %ne3A_564, %get3A_698, %get3A_703 : vector<16xi1>, vector<16xf32>
      %add3A_705 = arith.addf %select_n3A_682, %select_n3A_693 : vector<16xf32>
      %sub3A_706 = arith.subf %add3A_705, %select_n3A_704 : vector<16xf32>
      %abs3A_707 = math.absf %sub3A_706 : vector<16xf32>
      %add3A_708 = arith.addf %add3A_671, %abs3A_707 : vector<16xf32>
      %broadcast_in_dim3A_709 = arith.constant true
      %broadcast_in_dim3A_710 = vector.broadcast %broadcast_in_dim3A_709 : i1 to vector<16xi1>
      %masked_cumsum3A = tpu.scan <sum>, %add3A_708 masked %broadcast_in_dim3A_710 : vector<16xf32>, vector<16xi1> -> vector<16xf32>
      %swap3A_711 = arith.index_cast %add3A_552 : i32 to index
      %swap3A_712 = arith.constant 0 : index
      %swap3A_713 = tpu.vector_load %arg20[%swap3A_711, %swap3A_712] {strides = array<i32>} : memref<512x16xf32, #tpu.memory_space<vmem>>, vector<16xf32>,
      tpu.vector_store %arg20[%swap3A_711, %swap3A_712], %masked_cumsum3A {strides = array<i32>} : memref<512x16xf32, #tpu.memory_space<vmem>>, vector<16xf32>,
    }
    %scan3A_227 = arith.constant 128 : i32
    %dma_wait3A_228 = arith.constant 1 : i32
    %dma_wait3A_229 = arith.constant 0 : i32
    %dma_wait3A_230 = arith.constant 0 : i32
    %dma_wait3A_231 = tpu.memref_slice %arg17[%dma_wait3A_228, %dma_wait3A_229, %dma_wait3A_230] : memref<2x128x128xf32, #tpu.memory_space<vmem>> -> memref<1x128x128xf32, #tpu.memory_space<vmem>>
    %dma_wait3A_232 = tpu.memref_squeeze %dma_wait3A_231 : memref<1x128x128xf32, #tpu.memory_space<vmem>> -> memref<128x128xf32, #tpu.memory_space<vmem>>
    %dma_wait3A_233 = arith.constant 384 : i32
    %dma_wait3A_234 = tpu.memref_slice %arg11[%dma_wait3A_233] : memref<512xi32, #tpu.memory_space<vmem>> -> memref<128xi32, #tpu.memory_space<vmem>>
    %dma_wait3A_235 = arith.constant 0 : i32
    %dma_wait3A_236 = arith.constant 0 : i32
    %dma_wait3A_237 = tpu.memref_slice %arg8[%dma_wait3A_235, %dma_wait3A_236] : memref<507904x128xf32, #tpu.memory_space<hbm>> -> memref<507904x128xf32, #tpu.memory_space<hbm>>
    tpu.wait_indirect_dma semaphore(%arg23 : memref<!tpu.dma_semaphore, #tpu.memory_space<semaphore_mem>>) src(%dma_wait3A_237 : memref<507904x128xf32, #tpu.memory_space<hbm>>) dst(%dma_wait3A_232 : memref<128x128xf32, #tpu.memory_space<vmem>>)
    %dma_wait3A_238 = arith.constant 1 : i32
    %dma_wait3A_239 = arith.constant 0 : i32
    %dma_wait3A_240 = arith.constant 0 : i32
    %dma_wait3A_241 = tpu.memref_slice %arg18[%dma_wait3A_238, %dma_wait3A_239, %dma_wait3A_240] : memref<2x128x128xf32, #tpu.memory_space<vmem>> -> memref<1x128x128xf32, #tpu.memory_space<vmem>>
    %dma_wait3A_242 = tpu.memref_squeeze %dma_wait3A_241 : memref<1x128x128xf32, #tpu.memory_space<vmem>> -> memref<128x128xf32, #tpu.memory_space<vmem>>
    %dma_wait3A_243 = arith.constant 384 : i32
    %dma_wait3A_244 = tpu.memref_slice %arg12[%dma_wait3A_243] : memref<512xi32, #tpu.memory_space<vmem>> -> memref<128xi32, #tpu.memory_space<vmem>>
    %dma_wait3A_245 = arith.constant 0 : i32
    %dma_wait3A_246 = arith.constant 0 : i32
    %dma_wait3A_247 = tpu.memref_slice %arg9[%dma_wait3A_245, %dma_wait3A_246] : memref<507904x128xf32, #tpu.memory_space<hbm>> -> memref<507904x128xf32, #tpu.memory_space<hbm>>
    tpu.wait_indirect_dma semaphore(%arg23 : memref<!tpu.dma_semaphore, #tpu.memory_space<semaphore_mem>>) src(%dma_wait3A_247 : memref<507904x128xf32, #tpu.memory_space<hbm>>) dst(%dma_wait3A_242 : memref<128x128xf32, #tpu.memory_space<vmem>>)
    %dma_wait3A_248 = arith.constant 1 : i32
    %dma_wait3A_249 = arith.constant 0 : i32
    %dma_wait3A_250 = arith.constant 0 : i32
    %dma_wait3A_251 = tpu.memref_slice %arg19[%dma_wait3A_248, %dma_wait3A_249, %dma_wait3A_250] : memref<2x128x128xf32, #tpu.memory_space<vmem>> -> memref<1x128x128xf32, #tpu.memory_space<vmem>>
    %dma_wait3A_252 = tpu.memref_squeeze %dma_wait3A_251 : memref<1x128x128xf32, #tpu.memory_space<vmem>> -> memref<128x128xf32, #tpu.memory_space<vmem>>
    %dma_wait3A_253 = arith.constant 384 : i32
    %dma_wait3A_254 = tpu.memref_slice %arg13[%dma_wait3A_253] : memref<512xi32, #tpu.memory_space<vmem>> -> memref<128xi32, #tpu.memory_space<vmem>>
    %dma_wait3A_255 = arith.constant 0 : i32
    %dma_wait3A_256 = arith.constant 0 : i32
    %dma_wait3A_257 = tpu.memref_slice %arg8[%dma_wait3A_255, %dma_wait3A_256] : memref<507904x128xf32, #tpu.memory_space<hbm>> -> memref<507904x128xf32, #tpu.memory_space<hbm>>
    tpu.wait_indirect_dma semaphore(%arg23 : memref<!tpu.dma_semaphore, #tpu.memory_space<semaphore_mem>>) src(%dma_wait3A_257 : memref<507904x128xf32, #tpu.memory_space<hbm>>) dst(%dma_wait3A_252 : memref<128x128xf32, #tpu.memory_space<vmem>>)
    %scan3A_258 = arith.constant 0 : i32
    %scan3A_259 = arith.constant 0 : i32
    %scan3A_260 = arith.constant 128 : i32
    %scan3A_261 = arith.addi %scan3A_259, %scan3A_260 : i32
    %scan3A_262 = arith.constant 1 : i32
    scf.for %scan3A_550 = %scan3A_259 to %scan3A_261 step %scan3A_262  : i32 {
      %add3A_551 = arith.constant 384 : i32
      %add3A_552 = arith.addi %add3A_551, %scan3A_550 : i32
      %broadcast_in_dim3A_553 = vector.broadcast %add3A_552 : i32 to vector<16xi32>
      %gather3A_554 = tpu.vector_load_idx %arg14[%broadcast_in_dim3A_553] : memref<512xi32, #tpu.memory_space<vmem>>[vector<16xi32>], vector<16xi32>,
      %ne3A = arith.constant 0 : i32
      %ne3A_555 = vector.broadcast %ne3A : i32 to vector<16xi32>
      %ne3A_556 = arith.cmpi ne, %gather3A_554, %ne3A_555 : vector<16xi32>
      %gather3A_557 = tpu.vector_load_idx %arg15[%broadcast_in_dim3A_553] : memref<512xi32, #tpu.memory_space<vmem>>[vector<16xi32>], vector<16xi32>,
      %ne3A_558 = arith.constant 0 : i32
      %ne3A_559 = vector.broadcast %ne3A_558 : i32 to vector<16xi32>
      %ne3A_560 = arith.cmpi ne, %gather3A_557, %ne3A_559 : vector<16xi32>
      %gather3A_561 = tpu.vector_load_idx %arg16[%broadcast_in_dim3A_553] : memref<512xi32, #tpu.memory_space<vmem>>[vector<16xi32>], vector<16xi32>,
      %ne3A_562 = arith.constant 0 : i32
      %ne3A_563 = vector.broadcast %ne3A_562 : i32 to vector<16xi32>
      %ne3A_564 = arith.cmpi ne, %gather3A_561, %ne3A_563 : vector<16xi32>
      %get3A = arith.constant 1 : i32
      %get3A_565 = arith.index_cast %get3A : i32 to index
      %get3A_566 = arith.index_cast %scan3A_550 : i32 to index
      %get3A_567 = arith.constant 64 : index
      %get3A_568 = tpu.vector_load %arg17[%get3A_565, %get3A_566, %get3A_567] {strides = array<i32>} : memref<2x128x128xf32, #tpu.memory_space<vmem>>, vector<16xf32>,
      %get3A_569 = arith.constant 1 : i32
      %get3A_570 = arith.index_cast %get3A_569 : i32 to index
      %get3A_571 = arith.index_cast %scan3A_550 : i32 to index
      %get3A_572 = arith.constant 0 : index
      %get3A_573 = tpu.vector_load %arg17[%get3A_570, %get3A_571, %get3A_572] {strides = array<i32>} : memref<2x128x128xf32, #tpu.memory_space<vmem>>, vector<16xf32>,
      %select_n3A = arith.select %ne3A_556, %get3A_568, %get3A_573 : vector<16xi1>, vector<16xf32>
      %get3A_574 = arith.constant 1 : i32
      %get3A_575 = arith.index_cast %get3A_574 : i32 to index
      %get3A_576 = arith.index_cast %scan3A_550 : i32 to index
      %get3A_577 = arith.constant 64 : index
      %get3A_578 = tpu.vector_load %arg18[%get3A_575, %get3A_576, %get3A_577] {strides = array<i32>} : memref<2x128x128xf32, #tpu.memory_space<vmem>>, vector<16xf32>,
      %get3A_579 = arith.constant 1 : i32
      %get3A_580 = arith.index_cast %get3A_579 : i32 to index
      %get3A_581 = arith.index_cast %scan3A_550 : i32 to index
      %get3A_582 = arith.constant 0 : index
      %get3A_583 = tpu.vector_load %arg18[%get3A_580, %get3A_581, %get3A_582] {strides = array<i32>} : memref<2x128x128xf32, #tpu.memory_space<vmem>>, vector<16xf32>,
      %select_n3A_584 = arith.select %ne3A_560, %get3A_578, %get3A_583 : vector<16xi1>, vector<16xf32>
      %get3A_585 = arith.constant 1 : i32
      %get3A_586 = arith.index_cast %get3A_585 : i32 to index
      %get3A_587 = arith.index_cast %scan3A_550 : i32 to index
      %get3A_588 = arith.constant 64 : index
      %get3A_589 = tpu.vector_load %arg19[%get3A_586, %get3A_587, %get3A_588] {strides = array<i32>} : memref<2x128x128xf32, #tpu.memory_space<vmem>>, vector<16xf32>,
      %get3A_590 = arith.constant 1 : i32
      %get3A_591 = arith.index_cast %get3A_590 : i32 to index
      %get3A_592 = arith.index_cast %scan3A_550 : i32 to index
      %get3A_593 = arith.constant 0 : index
      %get3A_594 = tpu.vector_load %arg19[%get3A_591, %get3A_592, %get3A_593] {strides = array<i32>} : memref<2x128x128xf32, #tpu.memory_space<vmem>>, vector<16xf32>,
      %select_n3A_595 = arith.select %ne3A_564, %get3A_589, %get3A_594 : vector<16xi1>, vector<16xf32>
      %add3A_596 = arith.addf %select_n3A, %select_n3A_584 : vector<16xf32>
      %sub3A_597 = arith.subf %add3A_596, %select_n3A_595 : vector<16xf32>
      %abs3A = math.absf %sub3A_597 : vector<16xf32>
      %get3A_598 = arith.constant 1 : i32
      %get3A_599 = arith.index_cast %get3A_598 : i32 to index
      %get3A_600 = arith.index_cast %scan3A_550 : i32 to index
      %get3A_601 = arith.constant 80 : index
      %get3A_602 = tpu.vector_load %arg17[%get3A_599, %get3A_600, %get3A_601] {strides = array<i32>} : memref<2x128x128xf32, #tpu.memory_space<vmem>>, vector<16xf32>,
      %get3A_603 = arith.constant 1 : i32
      %get3A_604 = arith.index_cast %get3A_603 : i32 to index
      %get3A_605 = arith.index_cast %scan3A_550 : i32 to index
      %get3A_606 = arith.constant 16 : index
      %get3A_607 = tpu.vector_load %arg17[%get3A_604, %get3A_605, %get3A_606] {strides = array<i32>} : memref<2x128x128xf32, #tpu.memory_space<vmem>>, vector<16xf32>,
      %select_n3A_608 = arith.select %ne3A_556, %get3A_602, %get3A_607 : vector<16xi1>, vector<16xf32>
      %get3A_609 = arith.constant 1 : i32
      %get3A_610 = arith.index_cast %get3A_609 : i32 to index
      %get3A_611 = arith.index_cast %scan3A_550 : i32 to index
      %get3A_612 = arith.constant 80 : index
      %get3A_613 = tpu.vector_load %arg18[%get3A_610, %get3A_611, %get3A_612] {strides = array<i32>} : memref<2x128x128xf32, #tpu.memory_space<vmem>>, vector<16xf32>,
      %get3A_614 = arith.constant 1 : i32
      %get3A_615 = arith.index_cast %get3A_614 : i32 to index
      %get3A_616 = arith.index_cast %scan3A_550 : i32 to index
      %get3A_617 = arith.constant 16 : index
      %get3A_618 = tpu.vector_load %arg18[%get3A_615, %get3A_616, %get3A_617] {strides = array<i32>} : memref<2x128x128xf32, #tpu.memory_space<vmem>>, vector<16xf32>,
      %select_n3A_619 = arith.select %ne3A_560, %get3A_613, %get3A_618 : vector<16xi1>, vector<16xf32>
      %get3A_620 = arith.constant 1 : i32
      %get3A_621 = arith.index_cast %get3A_620 : i32 to index
      %get3A_622 = arith.index_cast %scan3A_550 : i32 to index
      %get3A_623 = arith.constant 80 : index
      %get3A_624 = tpu.vector_load %arg19[%get3A_621, %get3A_622, %get3A_623] {strides = array<i32>} : memref<2x128x128xf32, #tpu.memory_space<vmem>>, vector<16xf32>,
      %get3A_625 = arith.constant 1 : i32
      %get3A_626 = arith.index_cast %get3A_625 : i32 to index
      %get3A_627 = arith.index_cast %scan3A_550 : i32 to index
      %get3A_628 = arith.constant 16 : index
      %get3A_629 = tpu.vector_load %arg19[%get3A_626, %get3A_627, %get3A_628] {strides = array<i32>} : memref<2x128x128xf32, #tpu.memory_space<vmem>>, vector<16xf32>,
      %select_n3A_630 = arith.select %ne3A_564, %get3A_624, %get3A_629 : vector<16xi1>, vector<16xf32>
      %add3A_631 = arith.addf %select_n3A_608, %select_n3A_619 : vector<16xf32>
      %sub3A_632 = arith.subf %add3A_631, %select_n3A_630 : vector<16xf32>
      %abs3A_633 = math.absf %sub3A_632 : vector<16xf32>
      %add3A_634 = arith.addf %abs3A, %abs3A_633 : vector<16xf32>
      %get3A_635 = arith.constant 1 : i32
      %get3A_636 = arith.index_cast %get3A_635 : i32 to index
      %get3A_637 = arith.index_cast %scan3A_550 : i32 to index
      %get3A_638 = arith.constant 96 : index
      %get3A_639 = tpu.vector_load %arg17[%get3A_636, %get3A_637, %get3A_638] {strides = array<i32>} : memref<2x128x128xf32, #tpu.memory_space<vmem>>, vector<16xf32>,
      %get3A_640 = arith.constant 1 : i32
      %get3A_641 = arith.index_cast %get3A_640 : i32 to index
      %get3A_642 = arith.index_cast %scan3A_550 : i32 to index
      %get3A_643 = arith.constant 32 : index
      %get3A_644 = tpu.vector_load %arg17[%get3A_641, %get3A_642, %get3A_643] {strides = array<i32>} : memref<2x128x128xf32, #tpu.memory_space<vmem>>, vector<16xf32>,
      %select_n3A_645 = arith.select %ne3A_556, %get3A_639, %get3A_644 : vector<16xi1>, vector<16xf32>
      %get3A_646 = arith.constant 1 : i32
      %get3A_647 = arith.index_cast %get3A_646 : i32 to index
      %get3A_648 = arith.index_cast %scan3A_550 : i32 to index
      %get3A_649 = arith.constant 96 : index
      %get3A_650 = tpu.vector_load %arg18[%get3A_647, %get3A_648, %get3A_649] {strides = array<i32>} : memref<2x128x128xf32, #tpu.memory_space<vmem>>, vector<16xf32>,
      %get3A_651 = arith.constant 1 : i32
      %get3A_652 = arith.index_cast %get3A_651 : i32 to index
      %get3A_653 = arith.index_cast %scan3A_550 : i32 to index
      %get3A_654 = arith.constant 32 : index
      %get3A_655 = tpu.vector_load %arg18[%get3A_652, %get3A_653, %get3A_654] {strides = array<i32>} : memref<2x128x128xf32, #tpu.memory_space<vmem>>, vector<16xf32>,
      %select_n3A_656 = arith.select %ne3A_560, %get3A_650, %get3A_655 : vector<16xi1>, vector<16xf32>
      %get3A_657 = arith.constant 1 : i32
      %get3A_658 = arith.index_cast %get3A_657 : i32 to index
      %get3A_659 = arith.index_cast %scan3A_550 : i32 to index
      %get3A_660 = arith.constant 96 : index
      %get3A_661 = tpu.vector_load %arg19[%get3A_658, %get3A_659, %get3A_660] {strides = array<i32>} : memref<2x128x128xf32, #tpu.memory_space<vmem>>, vector<16xf32>,
      %get3A_662 = arith.constant 1 : i32
      %get3A_663 = arith.index_cast %get3A_662 : i32 to index
      %get3A_664 = arith.index_cast %scan3A_550 : i32 to index
      %get3A_665 = arith.constant 32 : index
      %get3A_666 = tpu.vector_load %arg19[%get3A_663, %get3A_664, %get3A_665] {strides = array<i32>} : memref<2x128x128xf32, #tpu.memory_space<vmem>>, vector<16xf32>,
      %select_n3A_667 = arith.select %ne3A_564, %get3A_661, %get3A_666 : vector<16xi1>, vector<16xf32>
      %add3A_668 = arith.addf %select_n3A_645, %select_n3A_656 : vector<16xf32>
      %sub3A_669 = arith.subf %add3A_668, %select_n3A_667 : vector<16xf32>
      %abs3A_670 = math.absf %sub3A_669 : vector<16xf32>
      %add3A_671 = arith.addf %add3A_634, %abs3A_670 : vector<16xf32>
      %get3A_672 = arith.constant 1 : i32
      %get3A_673 = arith.index_cast %get3A_672 : i32 to index
      %get3A_674 = arith.index_cast %scan3A_550 : i32 to index
      %get3A_675 = arith.constant 112 : index
      %get3A_676 = tpu.vector_load %arg17[%get3A_673, %get3A_674, %get3A_675] {strides = array<i32>} : memref<2x128x128xf32, #tpu.memory_space<vmem>>, vector<16xf32>,
      %get3A_677 = arith.constant 1 : i32
      %get3A_678 = arith.index_cast %get3A_677 : i32 to index
      %get3A_679 = arith.index_cast %scan3A_550 : i32 to index
      %get3A_680 = arith.constant 48 : index
      %get3A_681 = tpu.vector_load %arg17[%get3A_678, %get3A_679, %get3A_680] {strides = array<i32>} : memref<2x128x128xf32, #tpu.memory_space<vmem>>, vector<16xf32>,
      %select_n3A_682 = arith.select %ne3A_556, %get3A_676, %get3A_681 : vector<16xi1>, vector<16xf32>
      %get3A_683 = arith.constant 1 : i32
      %get3A_684 = arith.index_cast %get3A_683 : i32 to index
      %get3A_685 = arith.index_cast %scan3A_550 : i32 to index
      %get3A_686 = arith.constant 112 : index
      %get3A_687 = tpu.vector_load %arg18[%get3A_684, %get3A_685, %get3A_686] {strides = array<i32>} : memref<2x128x128xf32, #tpu.memory_space<vmem>>, vector<16xf32>,
      %get3A_688 = arith.constant 1 : i32
      %get3A_689 = arith.index_cast %get3A_688 : i32 to index
      %get3A_690 = arith.index_cast %scan3A_550 : i32 to index
      %get3A_691 = arith.constant 48 : index
      %get3A_692 = tpu.vector_load %arg18[%get3A_689, %get3A_690, %get3A_691] {strides = array<i32>} : memref<2x128x128xf32, #tpu.memory_space<vmem>>, vector<16xf32>,
      %select_n3A_693 = arith.select %ne3A_560, %get3A_687, %get3A_692 : vector<16xi1>, vector<16xf32>
      %get3A_694 = arith.constant 1 : i32
      %get3A_695 = arith.index_cast %get3A_694 : i32 to index
      %get3A_696 = arith.index_cast %scan3A_550 : i32 to index
      %get3A_697 = arith.constant 112 : index
      %get3A_698 = tpu.vector_load %arg19[%get3A_695, %get3A_696, %get3A_697] {strides = array<i32>} : memref<2x128x128xf32, #tpu.memory_space<vmem>>, vector<16xf32>,
      %get3A_699 = arith.constant 1 : i32
      %get3A_700 = arith.index_cast %get3A_699 : i32 to index
      %get3A_701 = arith.index_cast %scan3A_550 : i32 to index
      %get3A_702 = arith.constant 48 : index
      %get3A_703 = tpu.vector_load %arg19[%get3A_700, %get3A_701, %get3A_702] {strides = array<i32>} : memref<2x128x128xf32, #tpu.memory_space<vmem>>, vector<16xf32>,
      %select_n3A_704 = arith.select %ne3A_564, %get3A_698, %get3A_703 : vector<16xi1>, vector<16xf32>
      %add3A_705 = arith.addf %select_n3A_682, %select_n3A_693 : vector<16xf32>
      %sub3A_706 = arith.subf %add3A_705, %select_n3A_704 : vector<16xf32>
      %abs3A_707 = math.absf %sub3A_706 : vector<16xf32>
      %add3A_708 = arith.addf %add3A_671, %abs3A_707 : vector<16xf32>
      %broadcast_in_dim3A_709 = arith.constant true
      %broadcast_in_dim3A_710 = vector.broadcast %broadcast_in_dim3A_709 : i1 to vector<16xi1>
      %masked_cumsum3A = tpu.scan <sum>, %add3A_708 masked %broadcast_in_dim3A_710 : vector<16xf32>, vector<16xi1> -> vector<16xf32>
      %swap3A_711 = arith.index_cast %add3A_552 : i32 to index
      %swap3A_712 = arith.constant 0 : index
      %swap3A_713 = tpu.vector_load %arg20[%swap3A_711, %swap3A_712] {strides = array<i32>} : memref<512x16xf32, #tpu.memory_space<vmem>>, vector<16xf32>,
      tpu.vector_store %arg20[%swap3A_711, %swap3A_712], %masked_cumsum3A {strides = array<i32>} : memref<512x16xf32, #tpu.memory_space<vmem>>, vector<16xf32>,
    }
    %scan3A_263 = arith.constant 128 : i32
    %iota3A = tpu.iota {dimensions = array<i32: 0>} : vector<16xi32>
    %broadcast_in_dim3A = arith.constant 15 : i32
    %broadcast_in_dim3A_264 = vector.broadcast %broadcast_in_dim3A : i32 to vector<16xi32>
    %add3A_265 = arith.constant 0 : i32
    %add3A_266 = vector.broadcast %add3A_265 : i32 to vector<16xi32>
    %add3A_267 = arith.addi %iota3A, %add3A_266 : vector<16xi32>
    %gather3A = tpu.vector_load_idx %arg20[%add3A_267, %broadcast_in_dim3A_264] : memref<512x16xf32, #tpu.memory_space<vmem>>[vector<16xi32>, vector<16xi32>], vector<16xf32>,
    %sub3A = arith.constant 1.200000e+01 : f32
    %sub3A_268 = vector.broadcast %sub3A : f32 to vector<16xf32>
    %sub3A_269 = arith.subf %sub3A_268, %gather3A : vector<16xf32>
    %swap3A = arith.constant 0 : index
    %swap3A_270 = tpu.vector_load %arg21[%swap3A] {strides = array<i32>} : memref<512xf32, #tpu.memory_space<vmem>>, vector<16xf32>,
    tpu.vector_store %arg21[%swap3A], %sub3A_269 {strides = array<i32>} : memref<512xf32, #tpu.memory_space<vmem>>, vector<16xf32>,
    %add3A_271 = arith.constant 16 : i32
    %add3A_272 = vector.broadcast %add3A_271 : i32 to vector<16xi32>
    %add3A_273 = arith.addi %iota3A, %add3A_272 : vector<16xi32>
    %gather3A_274 = tpu.vector_load_idx %arg20[%add3A_273, %broadcast_in_dim3A_264] : memref<512x16xf32, #tpu.memory_space<vmem>>[vector<16xi32>, vector<16xi32>], vector<16xf32>,
    %sub3A_275 = arith.constant 1.200000e+01 : f32
    %sub3A_276 = vector.broadcast %sub3A_275 : f32 to vector<16xf32>
    %sub3A_277 = arith.subf %sub3A_276, %gather3A_274 : vector<16xf32>
    %swap3A_278 = arith.constant 16 : index
    %swap3A_279 = tpu.vector_load %arg21[%swap3A_278] {strides = array<i32>} : memref<512xf32, #tpu.memory_space<vmem>>, vector<16xf32>,
    tpu.vector_store %arg21[%swap3A_278], %sub3A_277 {strides = array<i32>} : memref<512xf32, #tpu.memory_space<vmem>>, vector<16xf32>,
    %add3A_280 = arith.constant 32 : i32
    %add3A_281 = vector.broadcast %add3A_280 : i32 to vector<16xi32>
    %add3A_282 = arith.addi %iota3A, %add3A_281 : vector<16xi32>
    %gather3A_283 = tpu.vector_load_idx %arg20[%add3A_282, %broadcast_in_dim3A_264] : memref<512x16xf32, #tpu.memory_space<vmem>>[vector<16xi32>, vector<16xi32>], vector<16xf32>,
    %sub3A_284 = arith.constant 1.200000e+01 : f32
    %sub3A_285 = vector.broadcast %sub3A_284 : f32 to vector<16xf32>
    %sub3A_286 = arith.subf %sub3A_285, %gather3A_283 : vector<16xf32>
    %swap3A_287 = arith.constant 32 : index
    %swap3A_288 = tpu.vector_load %arg21[%swap3A_287] {strides = array<i32>} : memref<512xf32, #tpu.memory_space<vmem>>, vector<16xf32>,
    tpu.vector_store %arg21[%swap3A_287], %sub3A_286 {strides = array<i32>} : memref<512xf32, #tpu.memory_space<vmem>>, vector<16xf32>,
    %add3A_289 = arith.constant 48 : i32
    %add3A_290 = vector.broadcast %add3A_289 : i32 to vector<16xi32>
    %add3A_291 = arith.addi %iota3A, %add3A_290 : vector<16xi32>
    %gather3A_292 = tpu.vector_load_idx %arg20[%add3A_291, %broadcast_in_dim3A_264] : memref<512x16xf32, #tpu.memory_space<vmem>>[vector<16xi32>, vector<16xi32>], vector<16xf32>,
    %sub3A_293 = arith.constant 1.200000e+01 : f32
    %sub3A_294 = vector.broadcast %sub3A_293 : f32 to vector<16xf32>
    %sub3A_295 = arith.subf %sub3A_294, %gather3A_292 : vector<16xf32>
    %swap3A_296 = arith.constant 48 : index
    %swap3A_297 = tpu.vector_load %arg21[%swap3A_296] {strides = array<i32>} : memref<512xf32, #tpu.memory_space<vmem>>, vector<16xf32>,
    tpu.vector_store %arg21[%swap3A_296], %sub3A_295 {strides = array<i32>} : memref<512xf32, #tpu.memory_space<vmem>>, vector<16xf32>,
    %add3A_298 = arith.constant 64 : i32
    %add3A_299 = vector.broadcast %add3A_298 : i32 to vector<16xi32>
    %add3A_300 = arith.addi %iota3A, %add3A_299 : vector<16xi32>
    %gather3A_301 = tpu.vector_load_idx %arg20[%add3A_300, %broadcast_in_dim3A_264] : memref<512x16xf32, #tpu.memory_space<vmem>>[vector<16xi32>, vector<16xi32>], vector<16xf32>,
    %sub3A_302 = arith.constant 1.200000e+01 : f32
    %sub3A_303 = vector.broadcast %sub3A_302 : f32 to vector<16xf32>
    %sub3A_304 = arith.subf %sub3A_303, %gather3A_301 : vector<16xf32>
    %swap3A_305 = arith.constant 64 : index
    %swap3A_306 = tpu.vector_load %arg21[%swap3A_305] {strides = array<i32>} : memref<512xf32, #tpu.memory_space<vmem>>, vector<16xf32>,
    tpu.vector_store %arg21[%swap3A_305], %sub3A_304 {strides = array<i32>} : memref<512xf32, #tpu.memory_space<vmem>>, vector<16xf32>,
    %add3A_307 = arith.constant 80 : i32
    %add3A_308 = vector.broadcast %add3A_307 : i32 to vector<16xi32>
    %add3A_309 = arith.addi %iota3A, %add3A_308 : vector<16xi32>
    %gather3A_310 = tpu.vector_load_idx %arg20[%add3A_309, %broadcast_in_dim3A_264] : memref<512x16xf32, #tpu.memory_space<vmem>>[vector<16xi32>, vector<16xi32>], vector<16xf32>,
    %sub3A_311 = arith.constant 1.200000e+01 : f32
    %sub3A_312 = vector.broadcast %sub3A_311 : f32 to vector<16xf32>
    %sub3A_313 = arith.subf %sub3A_312, %gather3A_310 : vector<16xf32>
    %swap3A_314 = arith.constant 80 : index
    %swap3A_315 = tpu.vector_load %arg21[%swap3A_314] {strides = array<i32>} : memref<512xf32, #tpu.memory_space<vmem>>, vector<16xf32>,
    tpu.vector_store %arg21[%swap3A_314], %sub3A_313 {strides = array<i32>} : memref<512xf32, #tpu.memory_space<vmem>>, vector<16xf32>,
    %add3A_316 = arith.constant 96 : i32
    %add3A_317 = vector.broadcast %add3A_316 : i32 to vector<16xi32>
    %add3A_318 = arith.addi %iota3A, %add3A_317 : vector<16xi32>
    %gather3A_319 = tpu.vector_load_idx %arg20[%add3A_318, %broadcast_in_dim3A_264] : memref<512x16xf32, #tpu.memory_space<vmem>>[vector<16xi32>, vector<16xi32>], vector<16xf32>,
    %sub3A_320 = arith.constant 1.200000e+01 : f32
    %sub3A_321 = vector.broadcast %sub3A_320 : f32 to vector<16xf32>
    %sub3A_322 = arith.subf %sub3A_321, %gather3A_319 : vector<16xf32>
    %swap3A_323 = arith.constant 96 : index
    %swap3A_324 = tpu.vector_load %arg21[%swap3A_323] {strides = array<i32>} : memref<512xf32, #tpu.memory_space<vmem>>, vector<16xf32>,
    tpu.vector_store %arg21[%swap3A_323], %sub3A_322 {strides = array<i32>} : memref<512xf32, #tpu.memory_space<vmem>>, vector<16xf32>,
    %add3A_325 = arith.constant 112 : i32
    %add3A_326 = vector.broadcast %add3A_325 : i32 to vector<16xi32>
    %add3A_327 = arith.addi %iota3A, %add3A_326 : vector<16xi32>
    %gather3A_328 = tpu.vector_load_idx %arg20[%add3A_327, %broadcast_in_dim3A_264] : memref<512x16xf32, #tpu.memory_space<vmem>>[vector<16xi32>, vector<16xi32>], vector<16xf32>,
    %sub3A_329 = arith.constant 1.200000e+01 : f32
    %sub3A_330 = vector.broadcast %sub3A_329 : f32 to vector<16xf32>
    %sub3A_331 = arith.subf %sub3A_330, %gather3A_328 : vector<16xf32>
    %swap3A_332 = arith.constant 112 : index
    %swap3A_333 = tpu.vector_load %arg21[%swap3A_332] {strides = array<i32>} : memref<512xf32, #tpu.memory_space<vmem>>, vector<16xf32>,
    tpu.vector_store %arg21[%swap3A_332], %sub3A_331 {strides = array<i32>} : memref<512xf32, #tpu.memory_space<vmem>>, vector<16xf32>,
    %add3A_334 = arith.constant 128 : i32
    %add3A_335 = vector.broadcast %add3A_334 : i32 to vector<16xi32>
    %add3A_336 = arith.addi %iota3A, %add3A_335 : vector<16xi32>
    %gather3A_337 = tpu.vector_load_idx %arg20[%add3A_336, %broadcast_in_dim3A_264] : memref<512x16xf32, #tpu.memory_space<vmem>>[vector<16xi32>, vector<16xi32>], vector<16xf32>,
    %sub3A_338 = arith.constant 1.200000e+01 : f32
    %sub3A_339 = vector.broadcast %sub3A_338 : f32 to vector<16xf32>
    %sub3A_340 = arith.subf %sub3A_339, %gather3A_337 : vector<16xf32>
    %swap3A_341 = arith.constant 128 : index
    %swap3A_342 = tpu.vector_load %arg21[%swap3A_341] {strides = array<i32>} : memref<512xf32, #tpu.memory_space<vmem>>, vector<16xf32>,
    tpu.vector_store %arg21[%swap3A_341], %sub3A_340 {strides = array<i32>} : memref<512xf32, #tpu.memory_space<vmem>>, vector<16xf32>,
    %add3A_343 = arith.constant 144 : i32
    %add3A_344 = vector.broadcast %add3A_343 : i32 to vector<16xi32>
    %add3A_345 = arith.addi %iota3A, %add3A_344 : vector<16xi32>
    %gather3A_346 = tpu.vector_load_idx %arg20[%add3A_345, %broadcast_in_dim3A_264] : memref<512x16xf32, #tpu.memory_space<vmem>>[vector<16xi32>, vector<16xi32>], vector<16xf32>,
    %sub3A_347 = arith.constant 1.200000e+01 : f32
    %sub3A_348 = vector.broadcast %sub3A_347 : f32 to vector<16xf32>
    %sub3A_349 = arith.subf %sub3A_348, %gather3A_346 : vector<16xf32>
    %swap3A_350 = arith.constant 144 : index
    %swap3A_351 = tpu.vector_load %arg21[%swap3A_350] {strides = array<i32>} : memref<512xf32, #tpu.memory_space<vmem>>, vector<16xf32>,
    tpu.vector_store %arg21[%swap3A_350], %sub3A_349 {strides = array<i32>} : memref<512xf32, #tpu.memory_space<vmem>>, vector<16xf32>,
    %add3A_352 = arith.constant 160 : i32
    %add3A_353 = vector.broadcast %add3A_352 : i32 to vector<16xi32>
    %add3A_354 = arith.addi %iota3A, %add3A_353 : vector<16xi32>
    %gather3A_355 = tpu.vector_load_idx %arg20[%add3A_354, %broadcast_in_dim3A_264] : memref<512x16xf32, #tpu.memory_space<vmem>>[vector<16xi32>, vector<16xi32>], vector<16xf32>,
    %sub3A_356 = arith.constant 1.200000e+01 : f32
    %sub3A_357 = vector.broadcast %sub3A_356 : f32 to vector<16xf32>
    %sub3A_358 = arith.subf %sub3A_357, %gather3A_355 : vector<16xf32>
    %swap3A_359 = arith.constant 160 : index
    %swap3A_360 = tpu.vector_load %arg21[%swap3A_359] {strides = array<i32>} : memref<512xf32, #tpu.memory_space<vmem>>, vector<16xf32>,
    tpu.vector_store %arg21[%swap3A_359], %sub3A_358 {strides = array<i32>} : memref<512xf32, #tpu.memory_space<vmem>>, vector<16xf32>,
    %add3A_361 = arith.constant 176 : i32
    %add3A_362 = vector.broadcast %add3A_361 : i32 to vector<16xi32>
    %add3A_363 = arith.addi %iota3A, %add3A_362 : vector<16xi32>
    %gather3A_364 = tpu.vector_load_idx %arg20[%add3A_363, %broadcast_in_dim3A_264] : memref<512x16xf32, #tpu.memory_space<vmem>>[vector<16xi32>, vector<16xi32>], vector<16xf32>,
    %sub3A_365 = arith.constant 1.200000e+01 : f32
    %sub3A_366 = vector.broadcast %sub3A_365 : f32 to vector<16xf32>
    %sub3A_367 = arith.subf %sub3A_366, %gather3A_364 : vector<16xf32>
    %swap3A_368 = arith.constant 176 : index
    %swap3A_369 = tpu.vector_load %arg21[%swap3A_368] {strides = array<i32>} : memref<512xf32, #tpu.memory_space<vmem>>, vector<16xf32>,
    tpu.vector_store %arg21[%swap3A_368], %sub3A_367 {strides = array<i32>} : memref<512xf32, #tpu.memory_space<vmem>>, vector<16xf32>,
    %add3A_370 = arith.constant 192 : i32
    %add3A_371 = vector.broadcast %add3A_370 : i32 to vector<16xi32>
    %add3A_372 = arith.addi %iota3A, %add3A_371 : vector<16xi32>
    %gather3A_373 = tpu.vector_load_idx %arg20[%add3A_372, %broadcast_in_dim3A_264] : memref<512x16xf32, #tpu.memory_space<vmem>>[vector<16xi32>, vector<16xi32>], vector<16xf32>,
    %sub3A_374 = arith.constant 1.200000e+01 : f32
    %sub3A_375 = vector.broadcast %sub3A_374 : f32 to vector<16xf32>
    %sub3A_376 = arith.subf %sub3A_375, %gather3A_373 : vector<16xf32>
    %swap3A_377 = arith.constant 192 : index
    %swap3A_378 = tpu.vector_load %arg21[%swap3A_377] {strides = array<i32>} : memref<512xf32, #tpu.memory_space<vmem>>, vector<16xf32>,
    tpu.vector_store %arg21[%swap3A_377], %sub3A_376 {strides = array<i32>} : memref<512xf32, #tpu.memory_space<vmem>>, vector<16xf32>,
    %add3A_379 = arith.constant 208 : i32
    %add3A_380 = vector.broadcast %add3A_379 : i32 to vector<16xi32>
    %add3A_381 = arith.addi %iota3A, %add3A_380 : vector<16xi32>
    %gather3A_382 = tpu.vector_load_idx %arg20[%add3A_381, %broadcast_in_dim3A_264] : memref<512x16xf32, #tpu.memory_space<vmem>>[vector<16xi32>, vector<16xi32>], vector<16xf32>,
    %sub3A_383 = arith.constant 1.200000e+01 : f32
    %sub3A_384 = vector.broadcast %sub3A_383 : f32 to vector<16xf32>
    %sub3A_385 = arith.subf %sub3A_384, %gather3A_382 : vector<16xf32>
    %swap3A_386 = arith.constant 208 : index
    %swap3A_387 = tpu.vector_load %arg21[%swap3A_386] {strides = array<i32>} : memref<512xf32, #tpu.memory_space<vmem>>, vector<16xf32>,
    tpu.vector_store %arg21[%swap3A_386], %sub3A_385 {strides = array<i32>} : memref<512xf32, #tpu.memory_space<vmem>>, vector<16xf32>,
    %add3A_388 = arith.constant 224 : i32
    %add3A_389 = vector.broadcast %add3A_388 : i32 to vector<16xi32>
    %add3A_390 = arith.addi %iota3A, %add3A_389 : vector<16xi32>
    %gather3A_391 = tpu.vector_load_idx %arg20[%add3A_390, %broadcast_in_dim3A_264] : memref<512x16xf32, #tpu.memory_space<vmem>>[vector<16xi32>, vector<16xi32>], vector<16xf32>,
    %sub3A_392 = arith.constant 1.200000e+01 : f32
    %sub3A_393 = vector.broadcast %sub3A_392 : f32 to vector<16xf32>
    %sub3A_394 = arith.subf %sub3A_393, %gather3A_391 : vector<16xf32>
    %swap3A_395 = arith.constant 224 : index
    %swap3A_396 = tpu.vector_load %arg21[%swap3A_395] {strides = array<i32>} : memref<512xf32, #tpu.memory_space<vmem>>, vector<16xf32>,
    tpu.vector_store %arg21[%swap3A_395], %sub3A_394 {strides = array<i32>} : memref<512xf32, #tpu.memory_space<vmem>>, vector<16xf32>,
    %add3A_397 = arith.constant 240 : i32
    %add3A_398 = vector.broadcast %add3A_397 : i32 to vector<16xi32>
    %add3A_399 = arith.addi %iota3A, %add3A_398 : vector<16xi32>
    %gather3A_400 = tpu.vector_load_idx %arg20[%add3A_399, %broadcast_in_dim3A_264] : memref<512x16xf32, #tpu.memory_space<vmem>>[vector<16xi32>, vector<16xi32>], vector<16xf32>,
    %sub3A_401 = arith.constant 1.200000e+01 : f32
    %sub3A_402 = vector.broadcast %sub3A_401 : f32 to vector<16xf32>
    %sub3A_403 = arith.subf %sub3A_402, %gather3A_400 : vector<16xf32>
    %swap3A_404 = arith.constant 240 : index
    %swap3A_405 = tpu.vector_load %arg21[%swap3A_404] {strides = array<i32>} : memref<512xf32, #tpu.memory_space<vmem>>, vector<16xf32>,
    tpu.vector_store %arg21[%swap3A_404], %sub3A_403 {strides = array<i32>} : memref<512xf32, #tpu.memory_space<vmem>>, vector<16xf32>,
    %add3A_406 = arith.constant 256 : i32
    %add3A_407 = vector.broadcast %add3A_406 : i32 to vector<16xi32>
    %add3A_408 = arith.addi %iota3A, %add3A_407 : vector<16xi32>
    %gather3A_409 = tpu.vector_load_idx %arg20[%add3A_408, %broadcast_in_dim3A_264] : memref<512x16xf32, #tpu.memory_space<vmem>>[vector<16xi32>, vector<16xi32>], vector<16xf32>,
    %sub3A_410 = arith.constant 1.200000e+01 : f32
    %sub3A_411 = vector.broadcast %sub3A_410 : f32 to vector<16xf32>
    %sub3A_412 = arith.subf %sub3A_411, %gather3A_409 : vector<16xf32>
    %swap3A_413 = arith.constant 256 : index
    %swap3A_414 = tpu.vector_load %arg21[%swap3A_413] {strides = array<i32>} : memref<512xf32, #tpu.memory_space<vmem>>, vector<16xf32>,
    tpu.vector_store %arg21[%swap3A_413], %sub3A_412 {strides = array<i32>} : memref<512xf32, #tpu.memory_space<vmem>>, vector<16xf32>,
    %add3A_415 = arith.constant 272 : i32
    %add3A_416 = vector.broadcast %add3A_415 : i32 to vector<16xi32>
    %add3A_417 = arith.addi %iota3A, %add3A_416 : vector<16xi32>
    %gather3A_418 = tpu.vector_load_idx %arg20[%add3A_417, %broadcast_in_dim3A_264] : memref<512x16xf32, #tpu.memory_space<vmem>>[vector<16xi32>, vector<16xi32>], vector<16xf32>,
    %sub3A_419 = arith.constant 1.200000e+01 : f32
    %sub3A_420 = vector.broadcast %sub3A_419 : f32 to vector<16xf32>
    %sub3A_421 = arith.subf %sub3A_420, %gather3A_418 : vector<16xf32>
    %swap3A_422 = arith.constant 272 : index
    %swap3A_423 = tpu.vector_load %arg21[%swap3A_422] {strides = array<i32>} : memref<512xf32, #tpu.memory_space<vmem>>, vector<16xf32>,
    tpu.vector_store %arg21[%swap3A_422], %sub3A_421 {strides = array<i32>} : memref<512xf32, #tpu.memory_space<vmem>>, vector<16xf32>,
    %add3A_424 = arith.constant 288 : i32
    %add3A_425 = vector.broadcast %add3A_424 : i32 to vector<16xi32>
    %add3A_426 = arith.addi %iota3A, %add3A_425 : vector<16xi32>
    %gather3A_427 = tpu.vector_load_idx %arg20[%add3A_426, %broadcast_in_dim3A_264] : memref<512x16xf32, #tpu.memory_space<vmem>>[vector<16xi32>, vector<16xi32>], vector<16xf32>,
    %sub3A_428 = arith.constant 1.200000e+01 : f32
    %sub3A_429 = vector.broadcast %sub3A_428 : f32 to vector<16xf32>
    %sub3A_430 = arith.subf %sub3A_429, %gather3A_427 : vector<16xf32>
    %swap3A_431 = arith.constant 288 : index
    %swap3A_432 = tpu.vector_load %arg21[%swap3A_431] {strides = array<i32>} : memref<512xf32, #tpu.memory_space<vmem>>, vector<16xf32>,
    tpu.vector_store %arg21[%swap3A_431], %sub3A_430 {strides = array<i32>} : memref<512xf32, #tpu.memory_space<vmem>>, vector<16xf32>,
    %add3A_433 = arith.constant 304 : i32
    %add3A_434 = vector.broadcast %add3A_433 : i32 to vector<16xi32>
    %add3A_435 = arith.addi %iota3A, %add3A_434 : vector<16xi32>
    %gather3A_436 = tpu.vector_load_idx %arg20[%add3A_435, %broadcast_in_dim3A_264] : memref<512x16xf32, #tpu.memory_space<vmem>>[vector<16xi32>, vector<16xi32>], vector<16xf32>,
    %sub3A_437 = arith.constant 1.200000e+01 : f32
    %sub3A_438 = vector.broadcast %sub3A_437 : f32 to vector<16xf32>
    %sub3A_439 = arith.subf %sub3A_438, %gather3A_436 : vector<16xf32>
    %swap3A_440 = arith.constant 304 : index
    %swap3A_441 = tpu.vector_load %arg21[%swap3A_440] {strides = array<i32>} : memref<512xf32, #tpu.memory_space<vmem>>, vector<16xf32>,
    tpu.vector_store %arg21[%swap3A_440], %sub3A_439 {strides = array<i32>} : memref<512xf32, #tpu.memory_space<vmem>>, vector<16xf32>,
    %add3A_442 = arith.constant 320 : i32
    %add3A_443 = vector.broadcast %add3A_442 : i32 to vector<16xi32>
    %add3A_444 = arith.addi %iota3A, %add3A_443 : vector<16xi32>
    %gather3A_445 = tpu.vector_load_idx %arg20[%add3A_444, %broadcast_in_dim3A_264] : memref<512x16xf32, #tpu.memory_space<vmem>>[vector<16xi32>, vector<16xi32>], vector<16xf32>,
    %sub3A_446 = arith.constant 1.200000e+01 : f32
    %sub3A_447 = vector.broadcast %sub3A_446 : f32 to vector<16xf32>
    %sub3A_448 = arith.subf %sub3A_447, %gather3A_445 : vector<16xf32>
    %swap3A_449 = arith.constant 320 : index
    %swap3A_450 = tpu.vector_load %arg21[%swap3A_449] {strides = array<i32>} : memref<512xf32, #tpu.memory_space<vmem>>, vector<16xf32>,
    tpu.vector_store %arg21[%swap3A_449], %sub3A_448 {strides = array<i32>} : memref<512xf32, #tpu.memory_space<vmem>>, vector<16xf32>,
    %add3A_451 = arith.constant 336 : i32
    %add3A_452 = vector.broadcast %add3A_451 : i32 to vector<16xi32>
    %add3A_453 = arith.addi %iota3A, %add3A_452 : vector<16xi32>
    %gather3A_454 = tpu.vector_load_idx %arg20[%add3A_453, %broadcast_in_dim3A_264] : memref<512x16xf32, #tpu.memory_space<vmem>>[vector<16xi32>, vector<16xi32>], vector<16xf32>,
    %sub3A_455 = arith.constant 1.200000e+01 : f32
    %sub3A_456 = vector.broadcast %sub3A_455 : f32 to vector<16xf32>
    %sub3A_457 = arith.subf %sub3A_456, %gather3A_454 : vector<16xf32>
    %swap3A_458 = arith.constant 336 : index
    %swap3A_459 = tpu.vector_load %arg21[%swap3A_458] {strides = array<i32>} : memref<512xf32, #tpu.memory_space<vmem>>, vector<16xf32>,
    tpu.vector_store %arg21[%swap3A_458], %sub3A_457 {strides = array<i32>} : memref<512xf32, #tpu.memory_space<vmem>>, vector<16xf32>,
    %add3A_460 = arith.constant 352 : i32
    %add3A_461 = vector.broadcast %add3A_460 : i32 to vector<16xi32>
    %add3A_462 = arith.addi %iota3A, %add3A_461 : vector<16xi32>
    %gather3A_463 = tpu.vector_load_idx %arg20[%add3A_462, %broadcast_in_dim3A_264] : memref<512x16xf32, #tpu.memory_space<vmem>>[vector<16xi32>, vector<16xi32>], vector<16xf32>,
    %sub3A_464 = arith.constant 1.200000e+01 : f32
    %sub3A_465 = vector.broadcast %sub3A_464 : f32 to vector<16xf32>
    %sub3A_466 = arith.subf %sub3A_465, %gather3A_463 : vector<16xf32>
    %swap3A_467 = arith.constant 352 : index
    %swap3A_468 = tpu.vector_load %arg21[%swap3A_467] {strides = array<i32>} : memref<512xf32, #tpu.memory_space<vmem>>, vector<16xf32>,
    tpu.vector_store %arg21[%swap3A_467], %sub3A_466 {strides = array<i32>} : memref<512xf32, #tpu.memory_space<vmem>>, vector<16xf32>,
    %add3A_469 = arith.constant 368 : i32
    %add3A_470 = vector.broadcast %add3A_469 : i32 to vector<16xi32>
    %add3A_471 = arith.addi %iota3A, %add3A_470 : vector<16xi32>
    %gather3A_472 = tpu.vector_load_idx %arg20[%add3A_471, %broadcast_in_dim3A_264] : memref<512x16xf32, #tpu.memory_space<vmem>>[vector<16xi32>, vector<16xi32>], vector<16xf32>,
    %sub3A_473 = arith.constant 1.200000e+01 : f32
    %sub3A_474 = vector.broadcast %sub3A_473 : f32 to vector<16xf32>
    %sub3A_475 = arith.subf %sub3A_474, %gather3A_472 : vector<16xf32>
    %swap3A_476 = arith.constant 368 : index
    %swap3A_477 = tpu.vector_load %arg21[%swap3A_476] {strides = array<i32>} : memref<512xf32, #tpu.memory_space<vmem>>, vector<16xf32>,
    tpu.vector_store %arg21[%swap3A_476], %sub3A_475 {strides = array<i32>} : memref<512xf32, #tpu.memory_space<vmem>>, vector<16xf32>,
    %add3A_478 = arith.constant 384 : i32
    %add3A_479 = vector.broadcast %add3A_478 : i32 to vector<16xi32>
    %add3A_480 = arith.addi %iota3A, %add3A_479 : vector<16xi32>
    %gather3A_481 = tpu.vector_load_idx %arg20[%add3A_480, %broadcast_in_dim3A_264] : memref<512x16xf32, #tpu.memory_space<vmem>>[vector<16xi32>, vector<16xi32>], vector<16xf32>,
    %sub3A_482 = arith.constant 1.200000e+01 : f32
    %sub3A_483 = vector.broadcast %sub3A_482 : f32 to vector<16xf32>
    %sub3A_484 = arith.subf %sub3A_483, %gather3A_481 : vector<16xf32>
    %swap3A_485 = arith.constant 384 : index
    %swap3A_486 = tpu.vector_load %arg21[%swap3A_485] {strides = array<i32>} : memref<512xf32, #tpu.memory_space<vmem>>, vector<16xf32>,
    tpu.vector_store %arg21[%swap3A_485], %sub3A_484 {strides = array<i32>} : memref<512xf32, #tpu.memory_space<vmem>>, vector<16xf32>,
    %add3A_487 = arith.constant 400 : i32
    %add3A_488 = vector.broadcast %add3A_487 : i32 to vector<16xi32>
    %add3A_489 = arith.addi %iota3A, %add3A_488 : vector<16xi32>
    %gather3A_490 = tpu.vector_load_idx %arg20[%add3A_489, %broadcast_in_dim3A_264] : memref<512x16xf32, #tpu.memory_space<vmem>>[vector<16xi32>, vector<16xi32>], vector<16xf32>,
    %sub3A_491 = arith.constant 1.200000e+01 : f32
    %sub3A_492 = vector.broadcast %sub3A_491 : f32 to vector<16xf32>
    %sub3A_493 = arith.subf %sub3A_492, %gather3A_490 : vector<16xf32>
    %swap3A_494 = arith.constant 400 : index
    %swap3A_495 = tpu.vector_load %arg21[%swap3A_494] {strides = array<i32>} : memref<512xf32, #tpu.memory_space<vmem>>, vector<16xf32>,
    tpu.vector_store %arg21[%swap3A_494], %sub3A_493 {strides = array<i32>} : memref<512xf32, #tpu.memory_space<vmem>>, vector<16xf32>,
    %add3A_496 = arith.constant 416 : i32
    %add3A_497 = vector.broadcast %add3A_496 : i32 to vector<16xi32>
    %add3A_498 = arith.addi %iota3A, %add3A_497 : vector<16xi32>
    %gather3A_499 = tpu.vector_load_idx %arg20[%add3A_498, %broadcast_in_dim3A_264] : memref<512x16xf32, #tpu.memory_space<vmem>>[vector<16xi32>, vector<16xi32>], vector<16xf32>,
    %sub3A_500 = arith.constant 1.200000e+01 : f32
    %sub3A_501 = vector.broadcast %sub3A_500 : f32 to vector<16xf32>
    %sub3A_502 = arith.subf %sub3A_501, %gather3A_499 : vector<16xf32>
    %swap3A_503 = arith.constant 416 : index
    %swap3A_504 = tpu.vector_load %arg21[%swap3A_503] {strides = array<i32>} : memref<512xf32, #tpu.memory_space<vmem>>, vector<16xf32>,
    tpu.vector_store %arg21[%swap3A_503], %sub3A_502 {strides = array<i32>} : memref<512xf32, #tpu.memory_space<vmem>>, vector<16xf32>,
    %add3A_505 = arith.constant 432 : i32
    %add3A_506 = vector.broadcast %add3A_505 : i32 to vector<16xi32>
    %add3A_507 = arith.addi %iota3A, %add3A_506 : vector<16xi32>
    %gather3A_508 = tpu.vector_load_idx %arg20[%add3A_507, %broadcast_in_dim3A_264] : memref<512x16xf32, #tpu.memory_space<vmem>>[vector<16xi32>, vector<16xi32>], vector<16xf32>,
    %sub3A_509 = arith.constant 1.200000e+01 : f32
    %sub3A_510 = vector.broadcast %sub3A_509 : f32 to vector<16xf32>
    %sub3A_511 = arith.subf %sub3A_510, %gather3A_508 : vector<16xf32>
    %swap3A_512 = arith.constant 432 : index
    %swap3A_513 = tpu.vector_load %arg21[%swap3A_512] {strides = array<i32>} : memref<512xf32, #tpu.memory_space<vmem>>, vector<16xf32>,
    tpu.vector_store %arg21[%swap3A_512], %sub3A_511 {strides = array<i32>} : memref<512xf32, #tpu.memory_space<vmem>>, vector<16xf32>,
    %add3A_514 = arith.constant 448 : i32
    %add3A_515 = vector.broadcast %add3A_514 : i32 to vector<16xi32>
    %add3A_516 = arith.addi %iota3A, %add3A_515 : vector<16xi32>
    %gather3A_517 = tpu.vector_load_idx %arg20[%add3A_516, %broadcast_in_dim3A_264] : memref<512x16xf32, #tpu.memory_space<vmem>>[vector<16xi32>, vector<16xi32>], vector<16xf32>,
    %sub3A_518 = arith.constant 1.200000e+01 : f32
    %sub3A_519 = vector.broadcast %sub3A_518 : f32 to vector<16xf32>
    %sub3A_520 = arith.subf %sub3A_519, %gather3A_517 : vector<16xf32>
    %swap3A_521 = arith.constant 448 : index
    %swap3A_522 = tpu.vector_load %arg21[%swap3A_521] {strides = array<i32>} : memref<512xf32, #tpu.memory_space<vmem>>, vector<16xf32>,
    tpu.vector_store %arg21[%swap3A_521], %sub3A_520 {strides = array<i32>} : memref<512xf32, #tpu.memory_space<vmem>>, vector<16xf32>,
    %add3A_523 = arith.constant 464 : i32
    %add3A_524 = vector.broadcast %add3A_523 : i32 to vector<16xi32>
    %add3A_525 = arith.addi %iota3A, %add3A_524 : vector<16xi32>
    %gather3A_526 = tpu.vector_load_idx %arg20[%add3A_525, %broadcast_in_dim3A_264] : memref<512x16xf32, #tpu.memory_space<vmem>>[vector<16xi32>, vector<16xi32>], vector<16xf32>,
    %sub3A_527 = arith.constant 1.200000e+01 : f32
    %sub3A_528 = vector.broadcast %sub3A_527 : f32 to vector<16xf32>
    %sub3A_529 = arith.subf %sub3A_528, %gather3A_526 : vector<16xf32>
    %swap3A_530 = arith.constant 464 : index
    %swap3A_531 = tpu.vector_load %arg21[%swap3A_530] {strides = array<i32>} : memref<512xf32, #tpu.memory_space<vmem>>, vector<16xf32>,
    tpu.vector_store %arg21[%swap3A_530], %sub3A_529 {strides = array<i32>} : memref<512xf32, #tpu.memory_space<vmem>>, vector<16xf32>,
    %add3A_532 = arith.constant 480 : i32
    %add3A_533 = vector.broadcast %add3A_532 : i32 to vector<16xi32>
    %add3A_534 = arith.addi %iota3A, %add3A_533 : vector<16xi32>
    %gather3A_535 = tpu.vector_load_idx %arg20[%add3A_534, %broadcast_in_dim3A_264] : memref<512x16xf32, #tpu.memory_space<vmem>>[vector<16xi32>, vector<16xi32>], vector<16xf32>,
    %sub3A_536 = arith.constant 1.200000e+01 : f32
    %sub3A_537 = vector.broadcast %sub3A_536 : f32 to vector<16xf32>
    %sub3A_538 = arith.subf %sub3A_537, %gather3A_535 : vector<16xf32>
    %swap3A_539 = arith.constant 480 : index
    %swap3A_540 = tpu.vector_load %arg21[%swap3A_539] {strides = array<i32>} : memref<512xf32, #tpu.memory_space<vmem>>, vector<16xf32>,
    tpu.vector_store %arg21[%swap3A_539], %sub3A_538 {strides = array<i32>} : memref<512xf32, #tpu.memory_space<vmem>>, vector<16xf32>,
    %add3A_541 = arith.constant 496 : i32
    %add3A_542 = vector.broadcast %add3A_541 : i32 to vector<16xi32>
    %add3A_543 = arith.addi %iota3A, %add3A_542 : vector<16xi32>
    %gather3A_544 = tpu.vector_load_idx %arg20[%add3A_543, %broadcast_in_dim3A_264] : memref<512x16xf32, #tpu.memory_space<vmem>>[vector<16xi32>, vector<16xi32>], vector<16xf32>,
    %sub3A_545 = arith.constant 1.200000e+01 : f32
    %sub3A_546 = vector.broadcast %sub3A_545 : f32 to vector<16xf32>
    %sub3A_547 = arith.subf %sub3A_546, %gather3A_544 : vector<16xf32>
    %swap3A_548 = arith.constant 496 : index
    %swap3A_549 = tpu.vector_load %arg21[%swap3A_548] {strides = array<i32>} : memref<512xf32, #tpu.memory_space<vmem>>, vector<16xf32>,
    tpu.vector_store %arg21[%swap3A_548], %sub3A_547 {strides = array<i32>} : memref<512xf32, #tpu.memory_space<vmem>>, vector<16xf32>,
    "tpu.region"() ({
      %run_scoped3A = tpu.sem_alloc : memref<!tpu.dma_semaphore, #tpu.memory_space<semaphore_mem>>
      %dma_start3A_550 = tpu.memref_slice %arg10[%mul3A_2] : memref<16384xf32, #tpu.memory_space<hbm>> -> memref<512xf32, #tpu.memory_space<hbm>>
      %dma_start3A_551 = tpu.memref_slice %arg10[%mul3A_2] : memref<16384xf32, #tpu.memory_space<hbm>> -> memref<512xf32, #tpu.memory_space<hbm>>
      tpu.enqueue_dma source(%arg21 : memref<512xf32, #tpu.memory_space<vmem>>) target(%dma_start3A_551 : memref<512xf32, #tpu.memory_space<hbm>>) target_semaphore(%run_scoped3A : memref<!tpu.dma_semaphore, #tpu.memory_space<semaphore_mem>>)
      %dma_wait3A_552 = tpu.memref_slice %arg10[%mul3A_2] : memref<16384xf32, #tpu.memory_space<hbm>> -> memref<512xf32, #tpu.memory_space<hbm>>
      %dma_wait3A_553 = tpu.memref_slice %arg10[%mul3A_2] : memref<16384xf32, #tpu.memory_space<hbm>> -> memref<512xf32, #tpu.memory_space<hbm>>
      tpu.wait_dma2 semaphore(%run_scoped3A : memref<!tpu.dma_semaphore, #tpu.memory_space<semaphore_mem>>) src(%arg21 : memref<512xf32, #tpu.memory_space<vmem>>) dst(%dma_wait3A_553 : memref<512xf32, #tpu.memory_space<hbm>>)
      tpu.yield
    }) : () -> ()
    return
  }
}

module attributes {stable_mosaic.version = 14 : i64} {
  func.func @body(%arg0: i32, %arg1: memref<64x32768xf32, #tpu.memory_space<vmem>>, %arg2: memref<16384x128xf32, #tpu.memory_space<vmem>>) attributes {dimension_semantics = [#tpu.dimension_semantics<arbitrary>], iteration_bounds = array<i64: 31>, scalar_prefetch = 0 : i64, scratch_operands = 0 : i64, tpu.core_type = #tpu.core_type<tc>, window_params = [{transform_indices = @transform_0, window_bounds = array<i64: 64, 32768>}, {transform_indices = @transform_1, window_bounds = array<i64: 16384, 128>}]} {
    %get3A = arith.constant 0 : index
    %get3A_0 = arith.constant 0 : index
    %get3A_1 = vector.load %arg1[%get3A, %get3A_0] : memref<64x32768xf32, #tpu.memory_space<vmem>>, vector<64x32768xf32>
    %transpose3A = tpu.transpose %get3A_1, [1, 0] : vector<64x32768xf32> -> vector<32768x64xf32>
    %slice3A = vector.extract_strided_slice %transpose3A {offsets = [0, 0], sizes = [16384, 64], strides = [1, 1]} : vector<32768x64xf32> to vector<16384x64xf32>
    %slice3A_2 = vector.extract_strided_slice %transpose3A {offsets = [16384, 0], sizes = [16384, 64], strides = [1, 1]} : vector<32768x64xf32> to vector<16384x64xf32>
    %concatenate3A = tpu.concatenate %slice3A, %slice3A_2 in 1 : vector<16384x64xf32>, vector<16384x64xf32> -> vector<16384x128xf32>
    %swap3A = arith.constant 0 : index
    %swap3A_3 = arith.constant 0 : index
    %swap3A_4 = vector.load %arg2[%swap3A, %swap3A_3] : memref<16384x128xf32, #tpu.memory_space<vmem>>, vector<16384x128xf32>
    tpu.vector_store %arg2[%swap3A, %swap3A_3], %concatenate3A {strides = array<i32>} : memref<16384x128xf32, #tpu.memory_space<vmem>>, vector<16384x128xf32>,
    return
  }
  func.func @transform_0(%arg0: i32) -> (i32, i32) {
    %c0_i32 = arith.constant 0 : i32
    %c0_i32_0 = arith.constant 0 : i32
    return %c0_i32, %arg0 : i32, i32
  }
  func.func @transform_1(%arg0: i32) -> (i32, i32) {
    %c0_i32 = arith.constant 0 : i32
    %c0_i32_0 = arith.constant 0 : i32
    return %arg0, %c0_i32 : i32, i32
  }
}

</mosaic_0001>

<sc_bundles>
// kernel: kernel.5.cloned.1.call-start
scs
__scs_entry_jumppad:
0x0: {  	(pc) =	sbr.rel $0x88, $3  }
0x1: {  	(tag) =	ssettag $0x0;
	lr =	simm.s32 $0x1  }
0x2: {  	[smem:$0x3F9E] =	sst lr;
	_ =	strace $0xD0000000  }
0x3: {  	_ = 	snop  }
0x4: {  	_ = 	snop  }
0x5: {  	_ = 	snop  }
0x6: {  	_ = 	snop  }
0x7: {  	_ = 	snop  }
__scs_overlays_trampoline_lowered:
0x8: {  	[smem:$0x3FAD] =	sst s0  }
0x9: {  	[smem:$0x3FAE] =	sst s1  }
0xa: {  	[smem:$0x3FAF] =	sst s2  }
0xb: {  	[smem:$0x3FB0] =	sst s3  }
0xc: {  	[smem:$0x3FB1] =	sst s4  }
0xd: {  	[smem:$0x3FB2] =	sst s5  }
0xe: {  	[smem:$0x3FB3] =	sst s6  }
0xf: {  	[smem:$0x3FB4] =	sst s7  }
0x10: {  	[smem:$0x3FB5] =	sst s8  }
0x11: {  	[smem:$0x3FB6] =	sst s9;
	s0 =	simm.s32 @!p0 $0x0  }
0x12: {  	s1 =	sld [smem:$0x3F9C];
	s0 =	simm.s32 @p0 $0x1  }
0x13: {  	[smem:$0x3FB7] =	sst s0;
	s0 =	simm.s32 @!p1 $0x0  }
0x14: {  	s2 =	sld [smem:$0x3F9B];
	s0 =	simm.s32 @p1 $0x1  }
0x15: {  	[smem:$0x3FB8] =	sst s0;
	s0 =	simm.s32 @!p2 $0x0  }
0x16: {  	s3 =	sld [smem:$0x3FDB];
	s0 =	simm.s32 @p2 $0x1  }
0x17: {  	s4 =	simm.s32 $0x1BF5;
	[smem:$0x3FBA] =	sst s0  }
0x18: {  	s0 =	sld [smem:$0x3F9D];
	_ =	swait.ge [sflag:s4], $0x0  }
0x19: {  	s7 =	sld [smem:$0x3F9E]  }
0x1a: {  	s8 =	sadd.s32 $0xFFFFE003, lr  }
0x1b: {  	s9 =	sadd.s32 $0xFFFFFEF7, lr;
	s5 =	simm.s32 $0xFFFFFFFF;
	p2 =	slt.u32 s8, $0xFFFFF086  }
0x1c: {  	p1 =	slt.u32 s9, $0xF7A;
	s5 =	simm.s32 @!p2 $0x0  }
0x1d: {  	s5 =	simm.s32 @p1 $0x1;
	p0 =	seq.s32 s7, s2  }
0x1e: {  	s7 =	smul.u32 @!p0 $0xF7A, s2;
	p2 =	seq.s32 @!p0 s5, $0x0  }
0x1f: {  	s9 =	smul.u32 $0xF7A, s1;
	s8 =	simm.s32 @!p0 $0x1BF5;
	p2 =	por !p2, p0  }
0x20: {  	[sflag:s8] =	ssyncset.s32 @!p0 $0xFFFFF086;
	s6 =	sadd.s32 @!p0 s3, s7;
	s7 =	simm.s32 @!p0 $0x108  }
0x21: {  	s3 =	sadd.s32 s3, s9;
	s6 =	sadd.s32 @!p0 $0x88, s6;
	s7 =	simm.s32 @p2 $0x1082  }
0x22: {  	[simem:s7], [sflag:s8] =	dma.local @!p0 [hbm:s6], $0xF7A  }
0x23: {  	s9 =	sor.u32 $0xD0000000, s2;
	s6 =	simm.s32 $0x108;
	_ =	swait.ge @!p0 [sflag:s8], $0x0  }
0x24: {  	s3 =	sadd.s32 $0x88, s3;
	s6 =	simm.s32 @!p1 $0x1082;
	[sflag:s4] =	ssyncset.s32 $0xFFFFF086  }
0x25: {  	[simem:s6], [sflag:s4] =	dma.local [hbm:s3], $0xF7A  }
0x26: {  	[smem:$0x3F9E] =	sst s1;
	(tag) =	ssettag s2;
	_ =	strace s9  }
0x27: {  	s1 =	sld [smem:$0x3FAE]  }
0x28: {  	s2 =	sld [smem:$0x3FAF]  }
0x29: {  	s4 =	sld [smem:$0x3FB1]  }
0x2a: {  	p0 =	seq.s32 s5, $0x0;
	s5 =	sld [smem:$0x3FB2]  }
0x2b: {  	s6 =	sld [smem:$0x3FB3]  }
0x2c: {  	s7 =	sld [smem:$0x3FB4]  }
0x2d: {  	s3 =	simm.s32 $0x108;
	s8 =	sld [smem:$0x3FB5]  }
0x2e: {  	s3 =	simm.s32 @!p0 $0x1082;
	s9 =	sld [smem:$0x3FB6]  }
0x2f: {  	lr =	sadd.s32 s0, s3;
	s0 =	sld [smem:$0x3FAD]  }
0x30: {  	s3 =	sld [smem:$0x3FB0]  }
0x31: {  	[smem:$0x3FB9] =	sst s10  }
0x32: {  	s10 =	sld [smem:$0x3FB7];
	_ =	sdelay $0x3  }
0x33: {  	p0 =	seq.s32 s10, $0x1;
	s10 =	sld [smem:$0x3FB9];
	_ =	sdelay $0x3  }
0x34: {  	[smem:$0x3FB9] =	sst s10  }
0x35: {  	s10 =	sld [smem:$0x3FB8];
	_ =	sdelay $0x3  }
0x36: {  	p1 =	seq.s32 s10, $0x1;
	s10 =	sld [smem:$0x3FB9];
	_ =	sdelay $0x3  }
0x37: {  	[smem:$0x3FB9] =	sst s10  }
0x38: {  	s10 =	sld [smem:$0x3FBA]  }
0x39: {  	_ = 	snop;
	(pc) =	sbr.ind lr, $3  }
0x3a: {  	_ = 	snop  }
0x3b: {  	_ = 	snop  }
0x3c: {  	p2 =	seq.s32 s10, $0x1;
	s10 =	sld [smem:$0x3FB9]  }
0x3d: {  	_ =	shalt  }
0x3e: {  	_ =	shalt  }
0x3f: {  	_ =	shalt  }
0x40: {  	_ =	shalt  }
0x41: {  	_ =	shalt  }
0x42: {  	_ =	shalt  }
0x43: {  	_ =	shalt  }
0x44: {  	_ =	shalt  }
0x45: {  	_ =	shalt  }
0x46: {  	_ =	shalt  }
0x47: {  	_ =	shalt  }
0x48: {  	_ =	shalt  }
0x49: {  	_ =	shalt  }
0x4a: {  	_ =	shalt  }
0x4b: {  	_ =	shalt  }
0x4c: {  	_ =	shalt  }
0x4d: {  	_ =	shalt  }
0x4e: {  	_ =	shalt  }
0x4f: {  	_ =	shalt  }
0x50: {  	_ =	shalt  }
0x51: {  	_ =	shalt  }
0x52: {  	_ =	shalt  }
0x53: {  	_ =	shalt  }
0x54: {  	_ =	shalt  }
0x55: {  	_ =	shalt  }
0x56: {  	_ =	shalt  }
0x57: {  	_ =	shalt  }
0x58: {  	_ =	shalt  }
0x59: {  	_ =	shalt  }
0x5a: {  	_ =	shalt  }
0x5b: {  	_ =	shalt  }
0x5c: {  	_ =	shalt  }
0x5d: {  	_ =	shalt  }
0x5e: {  	_ =	shalt  }
0x5f: {  	_ =	shalt  }
0x60: {  	_ =	shalt  }
0x61: {  	_ =	shalt  }
0x62: {  	_ =	shalt  }
0x63: {  	_ =	shalt  }
0x64: {  	_ =	shalt  }
0x65: {  	_ =	shalt  }
0x66: {  	_ =	shalt  }
0x67: {  	_ =	shalt  }
0x68: {  	_ =	shalt  }
0x69: {  	_ =	shalt  }
0x6a: {  	_ =	shalt  }
0x6b: {  	_ =	shalt  }
0x6c: {  	_ =	shalt  }
0x6d: {  	_ =	shalt  }
0x6e: {  	_ =	shalt  }
0x6f: {  	_ =	shalt  }
0x70: {  	_ =	shalt  }
0x71: {  	_ =	shalt  }
0x72: {  	_ =	shalt  }
0x73: {  	_ =	shalt  }
0x74: {  	_ =	shalt  }
0x75: {  	_ =	shalt  }
0x76: {  	_ =	shalt  }
0x77: {  	_ =	shalt  }
0x78: {  	_ =	shalt  }
0x79: {  	_ =	shalt  }
0x7a: {  	_ =	shalt  }
0x7b: {  	_ =	shalt  }
0x7c: {  	_ =	shalt  }
0x7d: {  	_ =	shalt  }
0x7e: {  	_ =	shalt  }
0x7f: {  	_ =	shalt  }
0x80: {  	_ =	shalt  }
0x81: {  	_ =	shalt  }
0x82: {  	_ =	shalt  }
0x83: {  	_ =	shalt  }
0x84: {  	_ =	shalt  }
0x85: {  	_ =	shalt  }
0x86: {  	_ =	shalt  }
0x87: {  	_ =	shalt  }
.Lfunc_end0:
.L_simem_size_0:
called_computation_lowered:
.L_overlay_start_0:
0x88: {  	s2 =	sld [smem:$0x3FD9]  }
0x89: {  	s3 =	sld [smem:$0x3FFE];
	_ =	sdelay $0x1  }
0x8a: {  	s1 =	srdreg.scid  }
0x8b: {  	s0 =	sand.u32 $0x1, s1  }
0x8c: {  	s17 =	sshll.u32 s0, $0xA;
	s2 =	sadd.s32 s3, s2  }
0x8d: {  	s2 =	sadd.s32 s2, s17  }
0x8e: {  	[smem:$0x3FC5] =	sst s2  }
0x8f: {  	_ = 	snop  }
0x90: {  	s2 =	sld [smem:$0x3FD0];
	(tm) =	ssettm $0x1  }
0x91: {  	s18 =	sld [smem:$0x3FFB];
	_ =	sdelay $0x3  }
0x92: {  	_ =	strace s18  }
0x93: {  	s3 =	sld [smem:$0x3FFC];
	_ =	sdelay $0x3  }
0x94: {  	_ =	strace s3  }
0x95: {  	s3 =	sld [smem:$0x3FFD];
	_ =	sdelay $0x3  }
0x96: {  	_ =	strace s3  }
0x97: {  	_ =	strace $0x8FFFFFFF  }
0x98: {  	s19 =	sld [smem:$0x3FDB];
	_ =	sdelay $0x1  }
0x99: {  	s4 =	simm.s32 $_scs_section_size  }
0x9a: {  	s5 =	simm.s32 $_size__tile_overlayer_lowered;
	s6 =	simm.s32 $_tile_overlayer_lowered  }
0x9b: {  	s22 =	simm.s32 $0x1BFF;
	s21 =	sshll.u32 s6, $0x1;
	s3 =	sadd.s32 s4, s19  }
0x9c: {  	s7 =	simm.s32 $0x0;
	s20 =	sshll.u32 s5, $0x1;
	s5 =	sadd.s32 s21, s3  }
0x9d: {  	[timem:s7], [sflag:s22] =	dma.local [hbm:s5], s20  }
0x9e: {  	_ =	swait.ge [sflag:s22], s20  }
0x9f: {  	s4 =	ssub.s32 $0x0, s20;
	[sflag:s22] =	ssyncset.done $0x0  }
0xa0: {  	[sflag:s22] =	ssyncadd.s32 s4;
	_ =	sdelay $0x1  }
0xa1: {  	s23 =	simm.s32 $0x1B8B  }
0xa2: {  	_ =	swait.ge [sflag:s23], $0x1  }
0xa3: {  	[sflag:s23] =	ssyncset.done $0x0  }
0xa4: {  	s25 =	simm.s32 $0x1B8E;
	s24 =	sld [smem:$0x3FFE];
	[sflag:s23] =	ssyncadd.s32 $0xFFFFFFFF  }
0xa5: {  	s26 =	simm.s32 $execute0_lowered;
	[smem:$0x3FD2] =	sst s25  }
0xa6: {  	s5 =	sshll.u32 s26, $0x1;
	_ =	strace $0x80000046;
	[dreg:$0x1] =	wrdreg $0xFFFFFFFF  }
0xa7: {  	s28 =	simm.s32 $_size_execute0_lowered;
	s3 =	sadd.s32 s3, s5;
	[dreg:$0x0] =	wrdreg $0x0  }
0xa8: {  	s5 =	sshll.u32 s28, $0x1;
	[dreg:$0x2] =	wrdreg s3  }
0xa9: {  	[dreg:$0x3] =	wrdreg s5  }
0xaa: {  	[dreg:$0x4] =	wrdreg $0xC0  }
0xab: {  	_ =	task [dreg:s7], $0x5FFFF  }
0xac: {  	[dreg:$0x1] =	wrdreg $0xFFFFFFFF  }
0xad: {  	[dreg:$0x0] =	wrdreg $0x60  }
0xae: {  	[dreg:$0x2] =	wrdreg s24  }
0xaf: {  	[dreg:$0x3] =	wrdreg s2  }
0xb0: {  	[dreg:$0x4] =	wrdreg $0x9  }
0xb1: {  	_ =	task.clear_ibuf [dreg:s7], $0x5FFFF;
	_ =	strace $0x90000046  }
0xb2: {  	s29 =	simm.s32 $0x9;
	_ =	strace $0x80000048  }
0xb3: {  	_ =	swait.ge [sflag:s29], $0x1  }
0xb4: {  	[sflag:s29] =	ssyncadd.s32 $0xFFFFFFFF  }
0xb5: {  	_ =	strace $0x90000048  }
0xb6: {  	_ =	sfence  }
0xb7: {  	s30 =	sld [smem:$0x0];
	_ =	sdelay $0x2  }
0xb8: {  	s31 =	sshll.u32 s1, $0xD;
	s1 =	sshrl.u32 s1, $0x2  }
0xb9: {  	s3 =	sand.u32 $0x4000, s31;
	s1 =	sadd.s32 s1, s30  }
0xba: {  	s0 =	sor.u32 s3, s0;
	s1 =	sshll.u32 s1, $0x11  }
0xbb: {  	s0 =	sor.u32 s1, s0  }
0xbc: {  	s0 =	sadd.s32 $0x8F2B, s0  }
0xbd: {  	[sflag:s0] =	ssyncadd.remote.s32 $0x1  }
0xbe: {  	_ =	sfence.sel $0xFFFF  }
0xbf: {  	[dreg:$0x0] =	wrdreg $0xFFFFFFFF;
	(pc) =	sbr.abs _section_cstart, $3  }
0xc0: {  	[dreg:$0x1] =	wrdreg $0xFFFFFFFF  }
0xc1: {  	_ =	task.clear_ibuf [dreg:s7], $0x2FFFF;
	_ =	strace $0x9FFFFFFF  }
0xc2: {  	(tm) =	ssettm $0x7FFFFFFF  }
0xc3: {  	_ =	shalt  }
tec
execute0_lowered:
.L_overlay_start_1:
0x0: {  	(tag) =	ssettag $0x1  }
0x1: {  	s0 =	rddreg [dreg:$0x0];
	v0 =	vlaneseq.u32  }
0x2: {  	s1 =	rddreg [dreg:$0x1];
	s3 =	srdreg.scid;
	s2 =	simm.s32 $0x0;
	v31 =	vmul.u32 $0x10, v0  }
0x3: {  	s4 =	stileid.u32;
	s13 =	simm.s32 $0x3;
	s16 =	simm.s32 $0x600  }
0x4: {  	s17 =	simm.s32 $0x800;
	s18 =	simm.s32 $0xA00;
	s19 =	simm.s32 $0x80;
	v0 =	vor.u32 $0xF, v31;
	v1 =	vor.u32 $0x10F, v31  }
0x5: {  	s20 =	simm.s32 $0xC00;
	s21 =	simm.s32 $0x8C00;
	s22 =	simm.s32 $0x10C00;
	v2 =	vor.u32 $0x20F, v31;
	v3 =	vor.u32 $0x30F, v31;
	v4 =	vor.u32 $0x40F, v31  }
0x6: {  	s23 =	simm.s32 $0x4C00;
	s25 =	simm.s32 $0xCC00;
	s28 =	simm.s32 $0x14C00;
	v5 =	vor.u32 $0x50F, v31;
	v6 =	vor.u32 $0x60F, v31;
	v7 =	vor.u32 $0x70F, v31  }
0x7: {  	s29 =	simm.s32 $0x1;
	s31 =	simm.s32 $0x18C00;
	s24 =	simm.s32 $0x0;
	v8 =	vor.u32 $0x80F, v31;
	v9 =	vor.u32 $0x90F, v31;
	v10 =	vor.u32 $0xA0F, v31  }
0x8: {  	s3 =	sand.u32 $0x1, s3;
	[smem:$0x7FF] =	sst s2;
	s4 =	sshll.u32 s4, $0x7;
	v11 =	vor.u32 $0xB0F, v31;
	v12 =	vor.u32 $0xC0F, v31;
	v13 =	vor.u32 $0xD0F, v31  }
0x9: {  	s5 =	sshll.u32 s3, $0x6;
	_ =	strace $0x80000047;
	s26 =	ssub.s32 $0x2, s3;
	v14 =	vor.u32 $0xE0F, v31;
	v15 =	vor.u32 $0xF0F, v31;
	v16 =	vor.u32 $0x100F, v31  }
0xa: {  	s3 =	sadd.s32 $0x3C00, s0;
	s11 =	sor.u32 s5, s4;
	s6 =	sshrl.u32 s26, $0x1;
	v17 =	vor.u32 $0x110F, v31;
	v18 =	vor.u32 $0x120F, v31;
	v19 =	vor.u32 $0x130F, v31  }
0xb: {  	s4 =	sadd.s32 $0x7C3C00, s0;
	v20 =	vor.u32 $0x140F, v31;
	v21 =	vor.u32 $0x150F, v31;
	v22 =	vor.u32 $0x160F, v31;
	s10 =	sadd.s32 s11, s0;
	s30 =	ssub.s32 s26, s6  }
0xc: {  	v23 =	vor.u32 $0x170F, v31;
	v24 =	vor.u32 $0x180F, v31;
	v25 =	vor.u32 $0x190F, v31;
	s11 =	sadd.s32 s1, s11;
	s1 =	simm.s32 $0x2;
	s5 =	sadd.s32 $0x3400, s10  }
0xd: {  	v26 =	vor.u32 $0x1A0F, v31;
	v27 =	vor.u32 $0x1B0F, v31;
	v28 =	vor.u32 $0x1C0F, v31;
	s6 =	sadd.s32 $0x1400, s10;
	s7 =	sadd.s32 $0x2400, s10;
	s8 =	sadd.s32 $0x2C00, s10  }
0xe: {  	v29 =	vor.u32 $0x1D0F, v31;
	v30 =	vor.u32 $0x1E0F, v31;
	v31 =	vor.u32 $0x1F0F, v31;
	s9 =	sadd.s32 $0xC00, s10;
	s10 =	sadd.s32 $0x1C00, s10;
	s12 =	smax.u32 s30, $0x1  }
.LBB2_1:
0xf: {  	[tilespmem:s2], [sflag:$0x3] =	stream.linear.gather [hbm4b:s5+s2], $0x200, $0x38;
	[tilespmem:$0x1AE00] =	vst v63  }
0x10: {  	_ =	swait.ge [sflag:s13], $0x200  }
0x11: {  	[sflag:s13] =	ssyncset.done $0x0  }
0x12: {  	s0 =	simm.s32 $0x200;
	[sflag:s13] =	ssyncadd.s32 $0xFFFFFE00  }
0x13: {  	[tilespmem:s0], [sflag:$0x3] =	stream.linear.gather [hbm4b:s6+s2], $0x200, $0x38;
	[tilespmem:$0x1AE00] =	vst v63  }
0x14: {  	_ =	swait.ge [sflag:s13], $0x200  }
0x15: {  	[sflag:s13] =	ssyncset.done $0x0  }
0x16: {  	s14 =	simm.s32 $0x400;
	[sflag:s13] =	ssyncadd.s32 $0xFFFFFE00  }
0x17: {  	[tilespmem:s14], [sflag:$0x3] =	stream.linear.gather [hbm4b:s7+s2], $0x200, $0x38;
	[tilespmem:$0x1AE00] =	vst v63  }
0x18: {  	_ =	swait.ge [sflag:s13], $0x200  }
0x19: {  	[sflag:s13] =	ssyncset.done $0x0  }
0x1a: {  	[sflag:s13] =	ssyncadd.s32 $0xFFFFFE00  }
0x1b: {  	[tilespmem:s16], [sflag:$0x3] =	stream.linear.gather [hbm4b:s8+s2], $0x200, $0x38;
	[tilespmem:$0x1AE00] =	vst v63  }
0x1c: {  	_ =	swait.ge [sflag:s13], $0x200  }
0x1d: {  	[sflag:s13] =	ssyncset.done $0x0  }
0x1e: {  	[sflag:s13] =	ssyncadd.s32 $0xFFFFFE00  }
0x1f: {  	[tilespmem:s17], [sflag:$0x3] =	stream.linear.gather [hbm4b:s9+s2], $0x200, $0x38;
	[tilespmem:$0x1AE00] =	vst v63  }
0x20: {  	_ =	swait.ge [sflag:s13], $0x200  }
0x21: {  	[sflag:s13] =	ssyncset.done $0x0  }
0x22: {  	[sflag:s13] =	ssyncadd.s32 $0xFFFFFE00  }
0x23: {  	[tilespmem:s18], [sflag:$0x3] =	stream.linear.gather [hbm4b:s10+s2], $0x200, $0x38;
	[tilespmem:$0x1AE00] =	vst v63  }
0x24: {  	_ =	swait.ge [sflag:s13], $0x200  }
0x25: {  	[sflag:s13] =	ssyncset.done $0x0  }
0x26: {  	[sflag:s13] =	ssyncadd.s32 $0xFFFFFE00  }
0x27: {  	[tilespmem:s20], [sflag:$0x1] =	stream.indirect.gather [hbm4b:s3+s19], $0x80, s2, s19, $0xb8;
	[tilespmem:$0x1AE00] =	vst v63  }
0x28: {  	_ = 	snop  }
0x29: {  	[tilespmem:s21], [sflag:$0x1] =	stream.indirect.gather [hbm4b:s4+s19], $0x80, s0, s19, $0xb8;
	[tilespmem:$0x1AE00] =	vst v63  }
0x2a: {  	_ = 	snop  }
0x2b: {  	[tilespmem:s22], [sflag:$0x1] =	stream.indirect.gather [hbm4b:s3+s19], $0x80, s14, s19, $0xb8;
	[tilespmem:$0x1AE00] =	vst v63  }
0x2c: {  	_ = 	snop  }
0x2d: {  	[tilespmem:s23], [sflag:$0x2] =	stream.indirect.gather [hbm4b:s3+s19], $0x80, s19, s19, $0xb8;
	[tilespmem:$0x1AE00] =	vst v63  }
0x2e: {  	s14 =	simm.s32 $0x280  }
0x2f: {  	[tilespmem:s25], [sflag:$0x2] =	stream.indirect.gather [hbm4b:s4+s19], $0x80, s14, s19, $0xb8;
	[tilespmem:$0x1AE00] =	vst v63  }
0x30: {  	s15 =	simm.s32 $0x480  }
0x31: {  	[tilespmem:s28], [sflag:$0x2] =	stream.indirect.gather [hbm4b:s3+s19], $0x80, s15, s19, $0xb8;
	[tilespmem:$0x1AE00] =	vst v63  }
0x32: {  	_ =	swait.ge [sflag:s29], $0x4000  }
0x33: {  	[sflag:s29] =	ssyncset.done $0x0  }
0x34: {  	[sflag:s29] =	ssyncadd.s32 $0xFFFFC000  }
0x35: {  	_ =	swait.ge [sflag:s29], $0x4000  }
0x36: {  	[sflag:s29] =	ssyncset.done $0x0  }
0x37: {  	[sflag:s29] =	ssyncadd.s32 $0xFFFFC000  }
0x38: {  	_ =	swait.ge [sflag:s29], $0x4000  }
0x39: {  	[sflag:s29] =	ssyncset.done $0x0  }
0x3a: {  	s0 =	simm.s32 $0x10C40;
	[sflag:s29] =	ssyncadd.s32 $0xFFFFC000  }
0x3b: {  	s26 =	simm.s32 $0xC40;
	v32 =	vld [tilespmem:s0+$0x20]  }
0x3c: {  	v33 =	vld [tilespmem:s26+$0x30]  }
0x3d: {  	s15 =	simm.s32 $0x8C40;
	v34 =	vld [tilespmem:s26+$0xFFFFFFF0]  }
0x3e: {  	v35 =	vld [tilespmem:s15+$0x30]  }
0x3f: {  	v36 =	vld [tilespmem:s0+$0x0]  }
0x40: {  	v37 =	vld [tilespmem:s0+$0xFFFFFFC0]  }
0x41: {  	v38 =	vld [tilespmem:s0+$0x10]  }
0x42: {  	v39 =	vld [tilespmem:s26+$0x20]  }
0x43: {  	v40 =	vld [tilespmem:s26+$0xFFFFFFE0]  }
0x44: {  	v41 =	vld [tilespmem:s15+$0x20]  }
0x45: {  	v42 =	vld [tilespmem:s26+$0x0]  }
0x46: {  	v43 =	vmov s2;
	v44 =	vld [tilespmem:s26+$0xFFFFFFC0]  }
0x47: {  	v45 =	vld [tilespmem:s15+$0x0]  }
0x48: {  	v46 =	vld [tilespmem:s15+$0xFFFFFFC0]  }
0x49: {  	v47 =	vld [tilespmem:s26+$0x10]  }
0x4a: {  	v48 =	vld [tilespmem:s26+$0xFFFFFFD0]  }
0x4b: {  	v49 =	vld.idx.msk [tilespmem:v43+s18+$0x0], $0xffff  }
0x4c: {  	v50 =	vld.idx.msk [tilespmem:v43+s16+$0x0], $0xffff  }
0x4d: {  	v43 =	vld.idx.msk [tilespmem:v43+s17+$0x0], $0xffff  }
0x4e: {  	v51 =	vld [tilespmem:s15+$0x10]  }
0x4f: {  	v52 =	vld [tilespmem:s15+$0xFFFFFFD0]  }
0x50: {  	v53 =	vld [tilespmem:s15+$0xFFFFFFE0]  }
0x51: {  	v63 =	vld [tilespmem:s0+$0xFFFFFFD0]  }
0x52: {  	v54 =	vld [tilespmem:s0+$0xFFFFFFE0];
	vm0 =	veq.s32 v49, $0x0;
	vm1 =	veq.s32 v50, $0x0  }
0x53: {  	v50 =	vld [tilespmem:s15+$0xFFFFFFF0];
	vm2 =	veq.s32 v43, $0x0;
	v42 =	vsel vm1, v44, v42;
	v39 =	vsel vm1, v40, v39  }
0x54: {  	v57 =	vld [tilespmem:s0+$0x30];
	v43 =	vsel vm2, v46, v45;
	v55 =	vsel vm1, v48, v47;
	v56 =	vsel vm2, v52, v51  }
0x55: {  	v59 =	vld [tilespmem:s0+$0xFFFFFFF0];
	v41 =	vsel vm2, v53, v41;
	v42 =	vadd.f32 v43, v42;
	v58 =	vadd.f32 v56, v55  }
0x56: {  	v36 =	vsel vm0, v37, v36;
	v38 =	vsel vm0, v63, v38;
	v39 =	vadd.f32 v41, v39  }
0x57: {  	v32 =	vsel vm0, v54, v32;
	v60 =	vsub.f32 v42, v36;
	v61 =	vsub.f32 v58, v38  }
0x58: {  	v33 =	vsel vm1, v34, v33;
	v32 =	vsub.f32 v39, v32;
	v35 =	vsel vm2, v50, v35  }
0x59: {  	v33 =	vadd.f32 v35, v33;
	v34 =	vand.u32 $0x7FFFFFFF, v60;
	v62 =	vand.u32 $0x7FFFFFFF, v61  }
0x5a: {  	v63 =	vsel vm0, v59, v57;
	v34 =	vadd.f32 v62, v34  }
0x5b: {  	v32 =	vand.u32 $0x7FFFFFFF, v32;
	v33 =	vsub.f32 v33, v63  }
0x5c: {  	v32 =	vadd.f32 v32, v34  }
0x5d: {  	v33 =	vand.u32 $0x7FFFFFFF, v33  }
0x5e: {  	v32 =	vadd.f32 v33, v32;
	_ =	sdelay $0x1  }
0x5f: {  	(xrf2) =	vadd.scan.msk.f32 $0xffff, v32;
	_ =	sdelay $0x9  }
0x60: {  	v32, _, _ =	vpop (xrf2)  }
0x61: {  	s30 =	simm.s32 $0x10CC0;
	[tilespmem:s31+$0x0] =	vst v32  }
0x62: {  	s14 =	simm.s32 $0xCC0;
	v32 =	vld [tilespmem:s30+$0x20]  }
0x63: {  	v33 =	vld [tilespmem:s14+$0x30]  }
0x64: {  	s0 =	simm.s32 $0x8CC0;
	v35 =	vld [tilespmem:s14+$0xFFFFFFF0]  }
0x65: {  	v34 =	vld [tilespmem:s0+$0x30]  }
0x66: {  	v38 =	vld [tilespmem:s30+$0x0]  }
0x67: {  	v40 =	vld [tilespmem:s30+$0xFFFFFFC0]  }
0x68: {  	v36 =	vld [tilespmem:s30+$0x10]  }
0x69: {  	v39 =	vld [tilespmem:s14+$0x20]  }
0x6a: {  	v41 =	vld [tilespmem:s14+$0xFFFFFFE0]  }
0x6b: {  	v37 =	vld [tilespmem:s0+$0x20]  }
0x6c: {  	s26 =	simm.s32 $0x1;
	v42 =	vld [tilespmem:s14+$0x0]  }
0x6d: {  	v46 =	vmov s26;
	v44 =	vld [tilespmem:s14+$0xFFFFFFC0]  }
0x6e: {  	v43 =	vld [tilespmem:s0+$0x0]  }
0x6f: {  	s15 =	simm.s32 $0x2;
	s26 =	simm.s32 $0x18C00;
	v45 =	vld [tilespmem:s0+$0xFFFFFFC0]  }
.LBB2_2:
0x70: {  	p0 =	sne.s32 s15, $0x7F;
	v47 =	vld [tilespmem:s14+$0x10]  }
0x71: {  	v48 =	vld [tilespmem:s14+$0xFFFFFFD0]  }
0x72: {  	v49 =	vld.idx.msk [tilespmem:v46+s18+$0x0], $0xffff  }
0x73: {  	v50 =	vld.idx.msk [tilespmem:v46+s16+$0x0], $0xffff  }
0x74: {  	v46 =	vld.idx.msk [tilespmem:v46+s17+$0x0], $0xffff  }
0x75: {  	v51 =	vld [tilespmem:s0+$0x10]  }
0x76: {  	v52 =	vld [tilespmem:s0+$0xFFFFFFD0]  }
0x77: {  	v53 =	vld [tilespmem:s0+$0xFFFFFFE0]  }
0x78: {  	vm0 =	veq.s32 v49, $0x0;
	v49 =	vld [tilespmem:s30+$0xFFFFFFD0]  }
0x79: {  	vm1 =	veq.s32 v50, $0x0;
	v38 =	vsel vm0, v40, v38;
	v40 =	vld [tilespmem:s0+$0xFFFFFFF0]  }
0x7a: {  	vm2 =	veq.s32 v46, $0x0;
	v42 =	vsel vm1, v44, v42;
	v39 =	vsel vm1, v41, v39;
	v41 =	vld [tilespmem:s30+$0xFFFFFFE0]  }
0x7b: {  	v44 =	vsel vm1, v48, v47;
	v43 =	vsel vm2, v45, v43;
	v45 =	vsel vm2, v52, v51;
	v46 =	vld [tilespmem:s30+$0x30]  }
0x7c: {  	v42 =	vadd.f32 v43, v42;
	v43 =	vadd.f32 v45, v44;
	v37 =	vsel vm2, v53, v37;
	v44 =	vld [tilespmem:s30+$0xFFFFFFF0]  }
0x7d: {  	v33 =	vsel vm1, v35, v33;
	v36 =	vsel vm0, v49, v36;
	v37 =	vadd.f32 v37, v39  }
0x7e: {  	v35 =	vsub.f32 v42, v38;
	v36 =	vsub.f32 v43, v36;
	v34 =	vsel vm2, v40, v34  }
0x7f: {  	v32 =	vsel vm0, v41, v32;
	v33 =	vadd.f32 v34, v33  }
0x80: {  	v34 =	vand.u32 $0x7FFFFFFF, v35;
	v35 =	vand.u32 $0x7FFFFFFF, v36;
	v32 =	vsub.f32 v37, v32  }
0x81: {  	v34 =	vadd.f32 v35, v34;
	v35 =	vsel vm0, v44, v46  }
0x82: {  	v32 =	vand.u32 $0x7FFFFFFF, v32;
	v33 =	vsub.f32 v33, v35  }
0x83: {  	v32 =	vadd.f32 v32, v34  }
0x84: {  	v33 =	vand.u32 $0x7FFFFFFF, v33  }
0x85: {  	v32 =	vadd.f32 v33, v32;
	_ =	sdelay $0x1  }
0x86: {  	(xrf2) =	vadd.scan.msk.f32 $0xffff, v32;
	_ =	sdelay $0x9  }
0x87: {  	s26 =	sadd.s32 $0x10, s26;
	v32, _, _ =	vpop (xrf2)  }
0x88: {  	s30 =	sadd.s32 $0x80, s30;
	[tilespmem:s26+$0x0] =	vst v32  }
0x89: {  	s14 =	sadd.s32 $0x80, s14;
	v32 =	vld [tilespmem:s30+$0x20]  }
0x8a: {  	v33 =	vld [tilespmem:s14+$0x30]  }
0x8b: {  	s0 =	sadd.s32 $0x80, s0;
	v35 =	vld [tilespmem:s14+$0xFFFFFFF0]  }
0x8c: {  	v34 =	vld [tilespmem:s0+$0x30]  }
0x8d: {  	v38 =	vld [tilespmem:s30+$0x0]  }
0x8e: {  	v40 =	vld [tilespmem:s30+$0xFFFFFFC0]  }
0x8f: {  	v36 =	vld [tilespmem:s30+$0x10]  }
0x90: {  	v39 =	vld [tilespmem:s14+$0x20]  }
0x91: {  	v41 =	vld [tilespmem:s14+$0xFFFFFFE0]  }
.Ltmp0:
0x92: {  	v37 =	vld [tilespmem:s0+$0x20];
	(pc) =	sbr.rel @p0 .LBB2_2-.Ltmp0, $4  }
0x93: {  	v42 =	vld [tilespmem:s14+$0x0]  }
0x94: {  	v46 =	vmov s15;
	v44 =	vld [tilespmem:s14+$0xFFFFFFC0]  }
0x95: {  	v43 =	vld [tilespmem:s0+$0x0]  }
0x96: {  	s15 =	sadd.s32 $0x1, s15;
	v45 =	vld [tilespmem:s0+$0xFFFFFFC0]  }
0x97: {  	_ =	sdelay $0x1  }
0x98: {  	v47 =	vld [tilespmem:s14+$0x10]  }
0x99: {  	v48 =	vld [tilespmem:s14+$0xFFFFFFD0]  }
0x9a: {  	v49 =	vld.idx.msk [tilespmem:v46+s18+$0x0], $0xffff  }
0x9b: {  	v50 =	vld.idx.msk [tilespmem:v46+s16+$0x0], $0xffff  }
0x9c: {  	v57 =	vld.idx.msk [tilespmem:v46+s17+$0x0], $0xffff  }
0x9d: {  	v51 =	vld [tilespmem:s0+$0x10]  }
0x9e: {  	v52 =	vld [tilespmem:s0+$0xFFFFFFD0]  }
0x9f: {  	v53 =	vld [tilespmem:s0+$0xFFFFFFE0]  }
0xa0: {  	v58 =	vld [tilespmem:s30+$0xFFFFFFD0]  }
0xa1: {  	v59 =	vld [tilespmem:s0+$0xFFFFFFF0];
	vm0 =	veq.s32 v49, $0x0;
	vm1 =	veq.s32 v50, $0x0;
	vm2 =	veq.s32 v57, $0x0  }
0xa2: {  	v60 =	vld [tilespmem:s30+$0xFFFFFFE0];
	v38 =	vsel vm0, v40, v38;
	v42 =	vsel vm1, v44, v42;
	v39 =	vsel vm1, v41, v39  }
0xa3: {  	v63 =	vld [tilespmem:s30+$0x30];
	v43 =	vsel vm2, v45, v43;
	v61 =	vsel vm1, v48, v47;
	v62 =	vsel vm2, v52, v51  }
0xa4: {  	v50 =	vld [tilespmem:s30+$0xFFFFFFF0];
	v37 =	vsel vm2, v53, v37;
	v42 =	vadd.f32 v43, v42;
	v48 =	vadd.f32 v62, v61  }
0xa5: {  	v36 =	vsel vm0, v58, v36;
	v33 =	vsel vm1, v35, v33;
	v37 =	vadd.f32 v37, v39  }
0xa6: {  	v34 =	vsel vm2, v59, v34;
	v51 =	vsub.f32 v42, v38;
	v36 =	vsub.f32 v48, v36  }
0xa7: {  	v32 =	vsel vm0, v60, v32;
	v33 =	vadd.f32 v34, v33  }
0xa8: {  	v32 =	vsub.f32 v37, v32;
	v52 =	vand.u32 $0x7FFFFFFF, v51;
	v53 =	vand.u32 $0x7FFFFFFF, v36  }
0xa9: {  	v54 =	vsel vm0, v50, v63;
	v34 =	vadd.f32 v53, v52  }
0xaa: {  	v32 =	vand.u32 $0x7FFFFFFF, v32;
	v33 =	vsub.f32 v33, v54  }
0xab: {  	v32 =	vadd.f32 v32, v34  }
0xac: {  	v33 =	vand.u32 $0x7FFFFFFF, v33  }
0xad: {  	v32 =	vadd.f32 v33, v32;
	_ =	sdelay $0x1  }
0xae: {  	(xrf2) =	vadd.scan.msk.f32 $0xffff, v32;
	_ =	sdelay $0x9  }
0xaf: {  	s26 =	sadd.s32 $0x10, s26;
	v32, _, _ =	vpop (xrf2)  }
0xb0: {  	s0 =	simm.s32 $0x80;
	s30 =	simm.s32 $0x100;
	[tilespmem:s26+$0x0] =	vst v32  }
0xb1: {  	[tilespmem:s20], [sflag:$0x1] =	stream.indirect.gather [hbm4b:s3+s0], $0x80, s30, s0, $0xb8;
	[tilespmem:$0x1AE00] =	vst v63  }
0xb2: {  	s15 =	simm.s32 $0x300  }
0xb3: {  	[tilespmem:s21], [sflag:$0x1] =	stream.indirect.gather [hbm4b:s4+s0], $0x80, s15, s0, $0xb8;
	[tilespmem:$0x1AE00] =	vst v63  }
0xb4: {  	s26 =	simm.s32 $0x500  }
0xb5: {  	[tilespmem:s22], [sflag:$0x1] =	stream.indirect.gather [hbm4b:s3+s0], $0x80, s26, s0, $0xb8;
	[tilespmem:$0x1AE00] =	vst v63  }
0xb6: {  	_ =	swait.ge [sflag:s1], $0x4000  }
0xb7: {  	[sflag:s1] =	ssyncset.done $0x0  }
0xb8: {  	[sflag:s1] =	ssyncadd.s32 $0xFFFFC000  }
0xb9: {  	_ =	swait.ge [sflag:s1], $0x4000  }
0xba: {  	[sflag:s1] =	ssyncset.done $0x0  }
0xbb: {  	[sflag:s1] =	ssyncadd.s32 $0xFFFFC000  }
0xbc: {  	_ =	swait.ge [sflag:s1], $0x4000  }
0xbd: {  	[sflag:s1] =	ssyncset.done $0x0  }
0xbe: {  	s30 =	simm.s32 $0x0;
	[sflag:s1] =	ssyncadd.s32 $0xFFFFC000  }
0xbf: {  	v32 =	vld [tilespmem:s30+$0x14C60]  }
0xc0: {  	v33 =	vld [tilespmem:s30+$0x4C70]  }
0xc1: {  	v34 =	vld [tilespmem:s30+$0x4C30]  }
0xc2: {  	v35 =	vld [tilespmem:s30+$0xCC70]  }
0xc3: {  	v36 =	vld [tilespmem:s30+$0x14C40]  }
0xc4: {  	v37 =	vld [tilespmem:s30+$0x14C00]  }
0xc5: {  	v38 =	vld [tilespmem:s30+$0x14C50]  }
0xc6: {  	v39 =	vld [tilespmem:s30+$0x4C60]  }
0xc7: {  	v40 =	vld [tilespmem:s30+$0x4C20]  }
0xc8: {  	v41 =	vld [tilespmem:s30+$0xCC60]  }
0xc9: {  	v42 =	vld [tilespmem:s30+$0x4C40]  }
0xca: {  	v55 =	vmov s0;
	v44 =	vld [tilespmem:s30+$0x4C00]  }
0xcb: {  	v45 =	vld [tilespmem:s30+$0xCC40]  }
0xcc: {  	v46 =	vld [tilespmem:s30+$0xCC00]  }
0xcd: {  	v56 =	vld [tilespmem:s30+$0x4C50]  }
0xce: {  	v57 =	vld [tilespmem:s30+$0x4C10]  }
0xcf: {  	v58 =	vld.idx.msk [tilespmem:v55+s18+$0x0], $0xffff  }
0xd0: {  	v59 =	vld.idx.msk [tilespmem:v55+s16+$0x0], $0xffff  }
0xd1: {  	v43 =	vld.idx.msk [tilespmem:v55+s17+$0x0], $0xffff  }
0xd2: {  	v60 =	vld [tilespmem:s30+$0xCC50]  }
0xd3: {  	v61 =	vld [tilespmem:s30+$0xCC10]  }
0xd4: {  	v62 =	vld [tilespmem:s30+$0xCC20]  }
0xd5: {  	v63 =	vld [tilespmem:s30+$0x14C10]  }
0xd6: {  	v50 =	vld [tilespmem:s30+$0xCC30];
	vm13 =	veq.s32 v58, $0x0;
	vm14 =	veq.s32 v59, $0x0;
	vm15 =	veq.s32 v43, $0x0  }
0xd7: {  	v54 =	vld [tilespmem:s30+$0x14C20];
	v36 =	vsel vm13, v37, v36;
	v42 =	vsel vm14, v44, v42;
	v39 =	vsel vm14, v40, v39  }
0xd8: {  	v59 =	vld [tilespmem:s30+$0x14C30];
	v43 =	vsel vm15, v46, v45;
	v55 =	vsel vm14, v57, v56;
	v56 =	vsel vm15, v61, v60  }
0xd9: {  	v57 =	vld [tilespmem:s30+$0x14C70];
	v41 =	vsel vm15, v62, v41;
	v42 =	vadd.f32 v43, v42;
	v58 =	vadd.f32 v56, v55  }
0xda: {  	v38 =	vsel vm13, v63, v38;
	v33 =	vsel vm14, v34, v33;
	v39 =	vadd.f32 v41, v39  }
0xdb: {  	v35 =	vsel vm15, v50, v35;
	v60 =	vsub.f32 v42, v36;
	v61 =	vsub.f32 v58, v38  }
0xdc: {  	v32 =	vsel vm13, v54, v32;
	v33 =	vadd.f32 v35, v33  }
0xdd: {  	v32 =	vsub.f32 v39, v32;
	v34 =	vand.u32 $0x7FFFFFFF, v60;
	v62 =	vand.u32 $0x7FFFFFFF, v61  }
0xde: {  	v63 =	vsel vm13, v59, v57;
	v34 =	vadd.f32 v62, v34  }
0xdf: {  	v32 =	vand.u32 $0x7FFFFFFF, v32;
	v33 =	vsub.f32 v33, v63  }
0xe0: {  	v32 =	vadd.f32 v32, v34  }
0xe1: {  	v33 =	vand.u32 $0x7FFFFFFF, v33  }
0xe2: {  	v32 =	vadd.f32 v33, v32;
	_ =	sdelay $0x1  }
0xe3: {  	(xrf2) =	vadd.scan.msk.f32 $0xffff, v32;
	_ =	sdelay $0x9  }
0xe4: {  	s26 =	simm.s32 $0x19400;
	v32, _, _ =	vpop (xrf2)  }
0xe5: {  	s15 =	simm.s32 $0x80;
	[tilespmem:s26+$0x0] =	vst v32  }
0xe6: {  	v32 =	vld [tilespmem:s15+$0x14C60]  }
0xe7: {  	v34 =	vld [tilespmem:s15+$0x4C70]  }
0xe8: {  	v35 =	vld [tilespmem:s15+$0x4C30]  }
0xe9: {  	v33 =	vld [tilespmem:s15+$0xCC70]  }
0xea: {  	v38 =	vld [tilespmem:s15+$0x14C40]  }
0xeb: {  	v40 =	vld [tilespmem:s15+$0x14C00]  }
0xec: {  	v36 =	vld [tilespmem:s15+$0x14C50]  }
0xed: {  	v39 =	vld [tilespmem:s15+$0x4C60]  }
0xee: {  	v41 =	vld [tilespmem:s15+$0x4C20]  }
0xef: {  	v37 =	vld [tilespmem:s15+$0xCC60]  }
0xf0: {  	s0 =	simm.s32 $0x81;
	v42 =	vld [tilespmem:s15+$0x4C40]  }
0xf1: {  	v46 =	vmov s0;
	v44 =	vld [tilespmem:s15+$0x4C00]  }
0xf2: {  	v43 =	vld [tilespmem:s15+$0xCC40]  }
0xf3: {  	s14 =	simm.s32 $0x400;
	v45 =	vld [tilespmem:s15+$0xCC00]  }
.LBB2_4:
0xf4: {  	p0 =	sne.s32 s14, $0xFE00;
	v47 =	vld [tilespmem:s15+$0x4C50]  }
0xf5: {  	v48 =	vld [tilespmem:s15+$0x4C10]  }
0xf6: {  	v49 =	vld.idx.msk [tilespmem:v46+s18+$0x0], $0xffff  }
0xf7: {  	v50 =	vld.idx.msk [tilespmem:v46+s16+$0x0], $0xffff  }
0xf8: {  	v46 =	vld.idx.msk [tilespmem:v46+s17+$0x0], $0xffff  }
0xf9: {  	v51 =	vld [tilespmem:s15+$0xCC50]  }
0xfa: {  	v52 =	vld [tilespmem:s15+$0xCC10]  }
0xfb: {  	v53 =	vld [tilespmem:s15+$0xCC20]  }
0xfc: {  	vm0 =	veq.s32 v49, $0x0;
	v49 =	vld [tilespmem:s15+$0x14C10]  }
0xfd: {  	vm1 =	veq.s32 v50, $0x0;
	v38 =	vsel vm0, v40, v38;
	v40 =	vld [tilespmem:s15+$0xCC30]  }
0xfe: {  	vm2 =	veq.s32 v46, $0x0;
	v42 =	vsel vm1, v44, v42;
	v39 =	vsel vm1, v41, v39;
	v41 =	vld [tilespmem:s15+$0x14C20]  }
0xff: {  	v44 =	vsel vm1, v48, v47;
	v43 =	vsel vm2, v45, v43;
	v45 =	vsel vm2, v52, v51;
	v46 =	vld [tilespmem:s15+$0x14C70]  }
0x100: {  	v42 =	vadd.f32 v43, v42;
	v43 =	vadd.f32 v45, v44;
	v37 =	vsel vm2, v53, v37;
	v44 =	vld [tilespmem:s15+$0x14C30]  }
0x101: {  	v34 =	vsel vm1, v35, v34;
	v36 =	vsel vm0, v49, v36;
	v37 =	vadd.f32 v37, v39  }
0x102: {  	v35 =	vsub.f32 v42, v38;
	v36 =	vsub.f32 v43, v36;
	v33 =	vsel vm2, v40, v33  }
0x103: {  	v32 =	vsel vm0, v41, v32;
	v33 =	vadd.f32 v33, v34  }
0x104: {  	v34 =	vand.u32 $0x7FFFFFFF, v35;
	v35 =	vand.u32 $0x7FFFFFFF, v36;
	v32 =	vsub.f32 v37, v32  }
0x105: {  	v34 =	vadd.f32 v35, v34;
	v35 =	vsel vm0, v44, v46  }
0x106: {  	v32 =	vand.u32 $0x7FFFFFFF, v32;
	v33 =	vsub.f32 v33, v35  }
0x107: {  	v32 =	vadd.f32 v32, v34  }
0x108: {  	v33 =	vand.u32 $0x7FFFFFFF, v33  }
0x109: {  	v32 =	vadd.f32 v33, v32;
	_ =	sdelay $0x1  }
0x10a: {  	(xrf2) =	vadd.scan.msk.f32 $0xffff, v32;
	_ =	sdelay $0x9  }
0x10b: {  	s26 =	sadd.s32 $0x10, s26;
	v32, _, _ =	vpop (xrf2)  }
0x10c: {  	s15 =	sshra.s32 s14, $0x2;
	[tilespmem:s26+$0x0] =	vst v32  }
0x10d: {  	v32 =	vld [tilespmem:s15+$0x14C60]  }
0x10e: {  	v34 =	vld [tilespmem:s15+$0x4C70]  }
0x10f: {  	v35 =	vld [tilespmem:s15+$0x4C30]  }
0x110: {  	v33 =	vld [tilespmem:s15+$0xCC70]  }
0x111: {  	v38 =	vld [tilespmem:s15+$0x14C40]  }
0x112: {  	v40 =	vld [tilespmem:s15+$0x14C00]  }
0x113: {  	v36 =	vld [tilespmem:s15+$0x14C50]  }
0x114: {  	v39 =	vld [tilespmem:s15+$0x4C60]  }
0x115: {  	v41 =	vld [tilespmem:s15+$0x4C20]  }
.Ltmp1:
0x116: {  	v37 =	vld [tilespmem:s15+$0xCC60];
	(pc) =	sbr.rel @p0 .LBB2_4-.Ltmp1, $4  }
0x117: {  	s0 =	sadd.s32 $0x1, s0;
	v42 =	vld [tilespmem:s15+$0x4C40]  }
0x118: {  	v46 =	vmov s0;
	v44 =	vld [tilespmem:s15+$0x4C00]  }
0x119: {  	v43 =	vld [tilespmem:s15+$0xCC40]  }
0x11a: {  	s14 =	sadd.s32 $0x200, s14;
	v45 =	vld [tilespmem:s15+$0xCC00]  }
0x11b: {  	_ =	sdelay $0x1  }
0x11c: {  	v47 =	vld [tilespmem:s15+$0x4C50]  }
0x11d: {  	v48 =	vld [tilespmem:s15+$0x4C10]  }
0x11e: {  	v49 =	vld.idx.msk [tilespmem:v46+s18+$0x0], $0xffff  }
0x11f: {  	v50 =	vld.idx.msk [tilespmem:v46+s16+$0x0], $0xffff  }
0x120: {  	v57 =	vld.idx.msk [tilespmem:v46+s17+$0x0], $0xffff  }
0x121: {  	v51 =	vld [tilespmem:s15+$0xCC50]  }
0x122: {  	v52 =	vld [tilespmem:s15+$0xCC10]  }
0x123: {  	v53 =	vld [tilespmem:s15+$0xCC20]  }
0x124: {  	v58 =	vld [tilespmem:s15+$0x14C10]  }
0x125: {  	v59 =	vld [tilespmem:s15+$0xCC30];
	vm0 =	veq.s32 v49, $0x0;
	vm1 =	veq.s32 v50, $0x0;
	vm2 =	veq.s32 v57, $0x0  }
0x126: {  	v60 =	vld [tilespmem:s15+$0x14C20];
	v38 =	vsel vm0, v40, v38;
	v42 =	vsel vm1, v44, v42;
	v39 =	vsel vm1, v41, v39  }
0x127: {  	v63 =	vld [tilespmem:s15+$0x14C70];
	v43 =	vsel vm2, v45, v43;
	v61 =	vsel vm1, v48, v47;
	v62 =	vsel vm2, v52, v51  }
0x128: {  	v50 =	vld [tilespmem:s15+$0x14C30];
	v37 =	vsel vm2, v53, v37;
	v42 =	vadd.f32 v43, v42;
	v48 =	vadd.f32 v62, v61  }
0x129: {  	v36 =	vsel vm0, v58, v36;
	v34 =	vsel vm1, v35, v34;
	v37 =	vadd.f32 v37, v39  }
0x12a: {  	v33 =	vsel vm2, v59, v33;
	v51 =	vsub.f32 v42, v38;
	v36 =	vsub.f32 v48, v36  }
0x12b: {  	v32 =	vsel vm0, v60, v32;
	v33 =	vadd.f32 v33, v34  }
0x12c: {  	v32 =	vsub.f32 v37, v32;
	v52 =	vand.u32 $0x7FFFFFFF, v51;
	v53 =	vand.u32 $0x7FFFFFFF, v36  }
0x12d: {  	v54 =	vsel vm0, v50, v63;
	v34 =	vadd.f32 v53, v52  }
0x12e: {  	v32 =	vand.u32 $0x7FFFFFFF, v32;
	v33 =	vsub.f32 v33, v54  }
0x12f: {  	v32 =	vadd.f32 v32, v34  }
0x130: {  	v33 =	vand.u32 $0x7FFFFFFF, v33  }
0x131: {  	v32 =	vadd.f32 v33, v32;
	_ =	sdelay $0x1  }
0x132: {  	(xrf2) =	vadd.scan.msk.f32 $0xffff, v32;
	_ =	sdelay $0x9  }
0x133: {  	s0 =	sadd.s32 $0x10, s26;
	v32, _, _ =	vpop (xrf2)  }
0x134: {  	s14 =	simm.s32 $0x180;
	[tilespmem:s0+$0x0] =	vst v32  }
0x135: {  	[tilespmem:s23], [sflag:$0x2] =	stream.indirect.gather [hbm4b:s3+s19], $0x80, s14, s19, $0xb8;
	[tilespmem:$0x1AE00] =	vst v63  }
0x136: {  	s15 =	simm.s32 $0x380  }
0x137: {  	[tilespmem:s25], [sflag:$0x2] =	stream.indirect.gather [hbm4b:s4+s19], $0x80, s15, s19, $0xb8;
	[tilespmem:$0x1AE00] =	vst v63  }
0x138: {  	s26 =	simm.s32 $0x580  }
0x139: {  	[tilespmem:s28], [sflag:$0x2] =	stream.indirect.gather [hbm4b:s3+s19], $0x80, s26, s19, $0xb8;
	[tilespmem:$0x1AE00] =	vst v63  }
0x13a: {  	_ =	swait.ge [sflag:s29], $0x4000  }
0x13b: {  	[sflag:s29] =	ssyncset.done $0x0  }
0x13c: {  	[sflag:s29] =	ssyncadd.s32 $0xFFFFC000  }
0x13d: {  	_ =	swait.ge [sflag:s29], $0x4000  }
0x13e: {  	[sflag:s29] =	ssyncset.done $0x0  }
0x13f: {  	[sflag:s29] =	ssyncadd.s32 $0xFFFFC000  }
0x140: {  	_ =	swait.ge [sflag:s29], $0x4000  }
0x141: {  	[sflag:s29] =	ssyncset.done $0x0  }
0x142: {  	s0 =	simm.s32 $0x10C40;
	[sflag:s29] =	ssyncadd.s32 $0xFFFFC000  }
0x143: {  	s14 =	simm.s32 $0xC40;
	v32 =	vld [tilespmem:s0+$0x20]  }
0x144: {  	v33 =	vld [tilespmem:s14+$0x30]  }
0x145: {  	s15 =	simm.s32 $0x8C40;
	v34 =	vld [tilespmem:s14+$0xFFFFFFF0]  }
0x146: {  	v35 =	vld [tilespmem:s15+$0x30]  }
0x147: {  	v36 =	vld [tilespmem:s0+$0x0]  }
0x148: {  	v37 =	vld [tilespmem:s0+$0xFFFFFFC0]  }
0x149: {  	v38 =	vld [tilespmem:s0+$0x10]  }
0x14a: {  	v39 =	vld [tilespmem:s14+$0x20]  }
0x14b: {  	v40 =	vld [tilespmem:s14+$0xFFFFFFE0]  }
0x14c: {  	v41 =	vld [tilespmem:s15+$0x20]  }
0x14d: {  	s26 =	simm.s32 $0x100;
	v42 =	vld [tilespmem:s14+$0x0]  }
0x14e: {  	v55 =	vmov s26;
	v44 =	vld [tilespmem:s14+$0xFFFFFFC0]  }
0x14f: {  	v45 =	vld [tilespmem:s15+$0x0]  }
0x150: {  	v46 =	vld [tilespmem:s15+$0xFFFFFFC0]  }
0x151: {  	v56 =	vld [tilespmem:s14+$0x10]  }
0x152: {  	v57 =	vld [tilespmem:s14+$0xFFFFFFD0]  }
0x153: {  	v58 =	vld.idx.msk [tilespmem:v55+s18+$0x0], $0xffff  }
0x154: {  	v59 =	vld.idx.msk [tilespmem:v55+s16+$0x0], $0xffff  }
0x155: {  	v43 =	vld.idx.msk [tilespmem:v55+s17+$0x0], $0xffff  }
0x156: {  	v60 =	vld [tilespmem:s15+$0x10]  }
0x157: {  	v61 =	vld [tilespmem:s15+$0xFFFFFFD0]  }
0x158: {  	v62 =	vld [tilespmem:s15+$0xFFFFFFE0]  }
0x159: {  	v63 =	vld [tilespmem:s0+$0xFFFFFFD0]  }
0x15a: {  	v50 =	vld [tilespmem:s15+$0xFFFFFFF0];
	vm13 =	veq.s32 v58, $0x0;
	vm14 =	veq.s32 v59, $0x0;
	vm15 =	veq.s32 v43, $0x0  }
0x15b: {  	v54 =	vld [tilespmem:s0+$0xFFFFFFE0];
	v36 =	vsel vm13, v37, v36;
	v42 =	vsel vm14, v44, v42;
	v39 =	vsel vm14, v40, v39  }
0x15c: {  	v59 =	vld [tilespmem:s0+$0xFFFFFFF0];
	v43 =	vsel vm15, v46, v45;
	v55 =	vsel vm14, v57, v56;
	v56 =	vsel vm15, v61, v60  }
0x15d: {  	v57 =	vld [tilespmem:s0+$0x30];
	v41 =	vsel vm15, v62, v41;
	v42 =	vadd.f32 v43, v42;
	v58 =	vadd.f32 v56, v55  }
0x15e: {  	v38 =	vsel vm13, v63, v38;
	v33 =	vsel vm14, v34, v33;
	v39 =	vadd.f32 v41, v39  }
0x15f: {  	v35 =	vsel vm15, v50, v35;
	v60 =	vsub.f32 v42, v36;
	v61 =	vsub.f32 v58, v38  }
0x160: {  	v32 =	vsel vm13, v54, v32;
	v33 =	vadd.f32 v35, v33  }
0x161: {  	v32 =	vsub.f32 v39, v32;
	v34 =	vand.u32 $0x7FFFFFFF, v60;
	v62 =	vand.u32 $0x7FFFFFFF, v61  }
0x162: {  	v63 =	vsel vm13, v59, v57;
	v34 =	vadd.f32 v62, v34  }
0x163: {  	v32 =	vand.u32 $0x7FFFFFFF, v32;
	v33 =	vsub.f32 v33, v63  }
0x164: {  	v32 =	vadd.f32 v32, v34  }
0x165: {  	v33 =	vand.u32 $0x7FFFFFFF, v33  }
0x166: {  	v32 =	vadd.f32 v33, v32;
	_ =	sdelay $0x1  }
0x167: {  	(xrf2) =	vadd.scan.msk.f32 $0xffff, v32;
	_ =	sdelay $0x9  }
0x168: {  	s26 =	simm.s32 $0x19C00;
	v32, _, _ =	vpop (xrf2)  }
0x169: {  	s30 =	simm.s32 $0x10CC0;
	[tilespmem:s26+$0x0] =	vst v32  }
0x16a: {  	s14 =	simm.s32 $0xCC0;
	v32 =	vld [tilespmem:s30+$0x20]  }
0x16b: {  	v33 =	vld [tilespmem:s14+$0x30]  }
0x16c: {  	s0 =	simm.s32 $0x8CC0;
	v35 =	vld [tilespmem:s14+$0xFFFFFFF0]  }
0x16d: {  	v34 =	vld [tilespmem:s0+$0x30]  }
0x16e: {  	v38 =	vld [tilespmem:s30+$0x0]  }
0x16f: {  	v40 =	vld [tilespmem:s30+$0xFFFFFFC0]  }
0x170: {  	v36 =	vld [tilespmem:s30+$0x10]  }
0x171: {  	v39 =	vld [tilespmem:s14+$0x20]  }
0x172: {  	v41 =	vld [tilespmem:s14+$0xFFFFFFE0]  }
0x173: {  	v37 =	vld [tilespmem:s0+$0x20]  }
0x174: {  	s15 =	simm.s32 $0x101;
	v42 =	vld [tilespmem:s14+$0x0]  }
0x175: {  	v46 =	vmov s15;
	v44 =	vld [tilespmem:s14+$0xFFFFFFC0]  }
0x176: {  	v43 =	vld [tilespmem:s0+$0x0]  }
0x177: {  	s15 =	simm.s32 $0x102;
	v45 =	vld [tilespmem:s0+$0xFFFFFFC0]  }
.LBB2_6:
0x178: {  	p0 =	sne.s32 s15, $0x17F;
	v47 =	vld [tilespmem:s14+$0x10]  }
0x179: {  	v48 =	vld [tilespmem:s14+$0xFFFFFFD0]  }
0x17a: {  	v49 =	vld.idx.msk [tilespmem:v46+s18+$0x0], $0xffff  }
0x17b: {  	v50 =	vld.idx.msk [tilespmem:v46+s16+$0x0], $0xffff  }
0x17c: {  	v46 =	vld.idx.msk [tilespmem:v46+s17+$0x0], $0xffff  }
0x17d: {  	v51 =	vld [tilespmem:s0+$0x10]  }
0x17e: {  	v52 =	vld [tilespmem:s0+$0xFFFFFFD0]  }
0x17f: {  	v53 =	vld [tilespmem:s0+$0xFFFFFFE0]  }
0x180: {  	vm0 =	veq.s32 v49, $0x0;
	v49 =	vld [tilespmem:s30+$0xFFFFFFD0]  }
0x181: {  	vm1 =	veq.s32 v50, $0x0;
	v38 =	vsel vm0, v40, v38;
	v40 =	vld [tilespmem:s0+$0xFFFFFFF0]  }
0x182: {  	vm2 =	veq.s32 v46, $0x0;
	v42 =	vsel vm1, v44, v42;
	v39 =	vsel vm1, v41, v39;
	v41 =	vld [tilespmem:s30+$0xFFFFFFE0]  }
0x183: {  	v44 =	vsel vm1, v48, v47;
	v43 =	vsel vm2, v45, v43;
	v45 =	vsel vm2, v52, v51;
	v46 =	vld [tilespmem:s30+$0x30]  }
0x184: {  	v42 =	vadd.f32 v43, v42;
	v43 =	vadd.f32 v45, v44;
	v37 =	vsel vm2, v53, v37;
	v44 =	vld [tilespmem:s30+$0xFFFFFFF0]  }
0x185: {  	v33 =	vsel vm1, v35, v33;
	v36 =	vsel vm0, v49, v36;
	v37 =	vadd.f32 v37, v39  }
0x186: {  	v35 =	vsub.f32 v42, v38;
	v36 =	vsub.f32 v43, v36;
	v34 =	vsel vm2, v40, v34  }
0x187: {  	v32 =	vsel vm0, v41, v32;
	v33 =	vadd.f32 v34, v33  }
0x188: {  	v34 =	vand.u32 $0x7FFFFFFF, v35;
	v35 =	vand.u32 $0x7FFFFFFF, v36;
	v32 =	vsub.f32 v37, v32  }
0x189: {  	v34 =	vadd.f32 v35, v34;
	v35 =	vsel vm0, v44, v46  }
0x18a: {  	v32 =	vand.u32 $0x7FFFFFFF, v32;
	v33 =	vsub.f32 v33, v35  }
0x18b: {  	v32 =	vadd.f32 v32, v34  }
0x18c: {  	v33 =	vand.u32 $0x7FFFFFFF, v33  }
0x18d: {  	v32 =	vadd.f32 v33, v32;
	_ =	sdelay $0x1  }
0x18e: {  	(xrf2) =	vadd.scan.msk.f32 $0xffff, v32;
	_ =	sdelay $0x9  }
0x18f: {  	s26 =	sadd.s32 $0x10, s26;
	v32, _, _ =	vpop (xrf2)  }
0x190: {  	s30 =	sadd.s32 $0x80, s30;
	[tilespmem:s26+$0x0] =	vst v32  }
0x191: {  	s14 =	sadd.s32 $0x80, s14;
	v32 =	vld [tilespmem:s30+$0x20]  }
0x192: {  	v33 =	vld [tilespmem:s14+$0x30]  }
0x193: {  	s0 =	sadd.s32 $0x80, s0;
	v35 =	vld [tilespmem:s14+$0xFFFFFFF0]  }
0x194: {  	v34 =	vld [tilespmem:s0+$0x30]  }
0x195: {  	v38 =	vld [tilespmem:s30+$0x0]  }
0x196: {  	v40 =	vld [tilespmem:s30+$0xFFFFFFC0]  }
0x197: {  	v36 =	vld [tilespmem:s30+$0x10]  }
0x198: {  	v39 =	vld [tilespmem:s14+$0x20]  }
0x199: {  	v41 =	vld [tilespmem:s14+$0xFFFFFFE0]  }
.Ltmp2:
0x19a: {  	v37 =	vld [tilespmem:s0+$0x20];
	(pc) =	sbr.rel @p0 .LBB2_6-.Ltmp2, $4  }
0x19b: {  	v42 =	vld [tilespmem:s14+$0x0]  }
0x19c: {  	v46 =	vmov s15;
	v44 =	vld [tilespmem:s14+$0xFFFFFFC0]  }
0x19d: {  	v43 =	vld [tilespmem:s0+$0x0]  }
0x19e: {  	s15 =	sadd.s32 $0x1, s15;
	v45 =	vld [tilespmem:s0+$0xFFFFFFC0]  }
0x19f: {  	_ =	sdelay $0x1  }
0x1a0: {  	v47 =	vld [tilespmem:s14+$0x10]  }
0x1a1: {  	v48 =	vld [tilespmem:s14+$0xFFFFFFD0]  }
0x1a2: {  	v49 =	vld.idx.msk [tilespmem:v46+s18+$0x0], $0xffff  }
0x1a3: {  	v50 =	vld.idx.msk [tilespmem:v46+s16+$0x0], $0xffff  }
0x1a4: {  	v57 =	vld.idx.msk [tilespmem:v46+s17+$0x0], $0xffff  }
0x1a5: {  	v51 =	vld [tilespmem:s0+$0x10]  }
0x1a6: {  	v52 =	vld [tilespmem:s0+$0xFFFFFFD0]  }
0x1a7: {  	v53 =	vld [tilespmem:s0+$0xFFFFFFE0]  }
0x1a8: {  	v58 =	vld [tilespmem:s30+$0xFFFFFFD0]  }
0x1a9: {  	v59 =	vld [tilespmem:s0+$0xFFFFFFF0];
	vm0 =	veq.s32 v49, $0x0;
	vm1 =	veq.s32 v50, $0x0;
	vm2 =	veq.s32 v57, $0x0  }
0x1aa: {  	v60 =	vld [tilespmem:s30+$0xFFFFFFE0];
	v38 =	vsel vm0, v40, v38;
	v42 =	vsel vm1, v44, v42;
	v39 =	vsel vm1, v41, v39  }
0x1ab: {  	v63 =	vld [tilespmem:s30+$0x30];
	v43 =	vsel vm2, v45, v43;
	v61 =	vsel vm1, v48, v47;
	v62 =	vsel vm2, v52, v51  }
0x1ac: {  	v50 =	vld [tilespmem:s30+$0xFFFFFFF0];
	v37 =	vsel vm2, v53, v37;
	v42 =	vadd.f32 v43, v42;
	v48 =	vadd.f32 v62, v61  }
0x1ad: {  	v36 =	vsel vm0, v58, v36;
	v33 =	vsel vm1, v35, v33;
	v37 =	vadd.f32 v37, v39  }
0x1ae: {  	v34 =	vsel vm2, v59, v34;
	v51 =	vsub.f32 v42, v38;
	v36 =	vsub.f32 v48, v36  }
0x1af: {  	v32 =	vsel vm0, v60, v32;
	v33 =	vadd.f32 v34, v33  }
0x1b0: {  	v32 =	vsub.f32 v37, v32;
	v52 =	vand.u32 $0x7FFFFFFF, v51;
	v53 =	vand.u32 $0x7FFFFFFF, v36  }
0x1b1: {  	v54 =	vsel vm0, v50, v63;
	v34 =	vadd.f32 v53, v52  }
0x1b2: {  	v32 =	vand.u32 $0x7FFFFFFF, v32;
	v33 =	vsub.f32 v33, v54  }
0x1b3: {  	v32 =	vadd.f32 v32, v34  }
0x1b4: {  	v33 =	vand.u32 $0x7FFFFFFF, v33  }
0x1b5: {  	v32 =	vadd.f32 v33, v32;
	_ =	sdelay $0x1  }
0x1b6: {  	(xrf2) =	vadd.scan.msk.f32 $0xffff, v32;
	_ =	sdelay $0x9  }
0x1b7: {  	s15 =	sadd.s32 $0x10, s26;
	v32, _, _ =	vpop (xrf2)  }
0x1b8: {  	[tilespmem:s15+$0x0] =	vst v32  }
0x1b9: {  	_ =	swait.ge [sflag:s1], $0x4000  }
0x1ba: {  	[sflag:s1] =	ssyncset.done $0x0  }
0x1bb: {  	[sflag:s1] =	ssyncadd.s32 $0xFFFFC000  }
0x1bc: {  	_ =	swait.ge [sflag:s1], $0x4000  }
0x1bd: {  	[sflag:s1] =	ssyncset.done $0x0  }
0x1be: {  	[sflag:s1] =	ssyncadd.s32 $0xFFFFC000  }
0x1bf: {  	_ =	swait.ge [sflag:s1], $0x4000  }
0x1c0: {  	[sflag:s1] =	ssyncset.done $0x0  }
0x1c1: {  	s26 =	simm.s32 $0x0;
	[sflag:s1] =	ssyncadd.s32 $0xFFFFC000  }
0x1c2: {  	v32 =	vld [tilespmem:s26+$0x14C60]  }
0x1c3: {  	v33 =	vld [tilespmem:s26+$0x4C70]  }
0x1c4: {  	v34 =	vld [tilespmem:s26+$0x4C30]  }
0x1c5: {  	v35 =	vld [tilespmem:s26+$0xCC70]  }
0x1c6: {  	v36 =	vld [tilespmem:s26+$0x14C40]  }
0x1c7: {  	v37 =	vld [tilespmem:s26+$0x14C00]  }
0x1c8: {  	v38 =	vld [tilespmem:s26+$0x14C50]  }
0x1c9: {  	v39 =	vld [tilespmem:s26+$0x4C60]  }
0x1ca: {  	v40 =	vld [tilespmem:s26+$0x4C20]  }
0x1cb: {  	v41 =	vld [tilespmem:s26+$0xCC60]  }
0x1cc: {  	s30 =	simm.s32 $0x180;
	v42 =	vld [tilespmem:s26+$0x4C40]  }
0x1cd: {  	v55 =	vmov s30;
	v44 =	vld [tilespmem:s26+$0x4C00]  }
0x1ce: {  	v45 =	vld [tilespmem:s26+$0xCC40]  }
0x1cf: {  	v46 =	vld [tilespmem:s26+$0xCC00]  }
0x1d0: {  	v56 =	vld [tilespmem:s26+$0x4C50]  }
0x1d1: {  	v57 =	vld [tilespmem:s26+$0x4C10]  }
0x1d2: {  	v58 =	vld.idx.msk [tilespmem:v55+s18+$0x0], $0xffff  }
0x1d3: {  	v59 =	vld.idx.msk [tilespmem:v55+s16+$0x0], $0xffff  }
0x1d4: {  	v43 =	vld.idx.msk [tilespmem:v55+s17+$0x0], $0xffff  }
0x1d5: {  	v60 =	vld [tilespmem:s26+$0xCC50]  }
0x1d6: {  	v61 =	vld [tilespmem:s26+$0xCC10]  }
0x1d7: {  	v62 =	vld [tilespmem:s26+$0xCC20]  }
0x1d8: {  	v63 =	vld [tilespmem:s26+$0x14C10]  }
0x1d9: {  	v50 =	vld [tilespmem:s26+$0xCC30];
	vm13 =	veq.s32 v58, $0x0;
	vm14 =	veq.s32 v59, $0x0;
	vm15 =	veq.s32 v43, $0x0  }
0x1da: {  	v54 =	vld [tilespmem:s26+$0x14C20];
	v36 =	vsel vm13, v37, v36;
	v42 =	vsel vm14, v44, v42;
	v39 =	vsel vm14, v40, v39  }
0x1db: {  	v59 =	vld [tilespmem:s26+$0x14C30];
	v43 =	vsel vm15, v46, v45;
	v55 =	vsel vm14, v57, v56;
	v56 =	vsel vm15, v61, v60  }
0x1dc: {  	v57 =	vld [tilespmem:s26+$0x14C70];
	v41 =	vsel vm15, v62, v41;
	v42 =	vadd.f32 v43, v42;
	v58 =	vadd.f32 v56, v55  }
0x1dd: {  	v38 =	vsel vm13, v63, v38;
	v33 =	vsel vm14, v34, v33;
	v39 =	vadd.f32 v41, v39  }
0x1de: {  	v35 =	vsel vm15, v50, v35;
	v60 =	vsub.f32 v42, v36;
	v61 =	vsub.f32 v58, v38  }
0x1df: {  	v32 =	vsel vm13, v54, v32;
	v33 =	vadd.f32 v35, v33  }
0x1e0: {  	v32 =	vsub.f32 v39, v32;
	v34 =	vand.u32 $0x7FFFFFFF, v60;
	v62 =	vand.u32 $0x7FFFFFFF, v61  }
0x1e1: {  	v63 =	vsel vm13, v59, v57;
	v34 =	vadd.f32 v62, v34  }
0x1e2: {  	v32 =	vand.u32 $0x7FFFFFFF, v32;
	v33 =	vsub.f32 v33, v63  }
0x1e3: {  	v32 =	vadd.f32 v32, v34  }
0x1e4: {  	v33 =	vand.u32 $0x7FFFFFFF, v33  }
0x1e5: {  	v32 =	vadd.f32 v33, v32;
	_ =	sdelay $0x1  }
0x1e6: {  	(xrf2) =	vadd.scan.msk.f32 $0xffff, v32;
	_ =	sdelay $0x9  }
0x1e7: {  	s26 =	simm.s32 $0x1A400;
	v32, _, _ =	vpop (xrf2)  }
0x1e8: {  	s15 =	simm.s32 $0x80;
	[tilespmem:s26+$0x0] =	vst v32  }
0x1e9: {  	v32 =	vld [tilespmem:s15+$0x14C60]  }
0x1ea: {  	v34 =	vld [tilespmem:s15+$0x4C70]  }
0x1eb: {  	v35 =	vld [tilespmem:s15+$0x4C30]  }
0x1ec: {  	v33 =	vld [tilespmem:s15+$0xCC70]  }
0x1ed: {  	v38 =	vld [tilespmem:s15+$0x14C40]  }
0x1ee: {  	v40 =	vld [tilespmem:s15+$0x14C00]  }
0x1ef: {  	v36 =	vld [tilespmem:s15+$0x14C50]  }
0x1f0: {  	v39 =	vld [tilespmem:s15+$0x4C60]  }
0x1f1: {  	v41 =	vld [tilespmem:s15+$0x4C20]  }
0x1f2: {  	v37 =	vld [tilespmem:s15+$0xCC60]  }
0x1f3: {  	s0 =	simm.s32 $0x181;
	v42 =	vld [tilespmem:s15+$0x4C40]  }
0x1f4: {  	v46 =	vmov s0;
	v44 =	vld [tilespmem:s15+$0x4C00]  }
0x1f5: {  	v43 =	vld [tilespmem:s15+$0xCC40]  }
0x1f6: {  	s14 =	simm.s32 $0x400;
	v45 =	vld [tilespmem:s15+$0xCC00]  }
.LBB2_8:
0x1f7: {  	p0 =	sne.s32 s14, $0xFE00;
	v47 =	vld [tilespmem:s15+$0x4C50]  }
0x1f8: {  	v48 =	vld [tilespmem:s15+$0x4C10]  }
0x1f9: {  	v49 =	vld.idx.msk [tilespmem:v46+s18+$0x0], $0xffff  }
0x1fa: {  	v50 =	vld.idx.msk [tilespmem:v46+s16+$0x0], $0xffff  }
0x1fb: {  	v46 =	vld.idx.msk [tilespmem:v46+s17+$0x0], $0xffff  }
0x1fc: {  	v51 =	vld [tilespmem:s15+$0xCC50]  }
0x1fd: {  	v52 =	vld [tilespmem:s15+$0xCC10]  }
0x1fe: {  	v53 =	vld [tilespmem:s15+$0xCC20]  }
0x1ff: {  	vm0 =	veq.s32 v49, $0x0;
	v49 =	vld [tilespmem:s15+$0x14C10]  }
0x200: {  	vm1 =	veq.s32 v50, $0x0;
	v38 =	vsel vm0, v40, v38;
	v40 =	vld [tilespmem:s15+$0xCC30]  }
0x201: {  	vm2 =	veq.s32 v46, $0x0;
	v42 =	vsel vm1, v44, v42;
	v39 =	vsel vm1, v41, v39;
	v41 =	vld [tilespmem:s15+$0x14C20]  }
0x202: {  	v44 =	vsel vm1, v48, v47;
	v43 =	vsel vm2, v45, v43;
	v45 =	vsel vm2, v52, v51;
	v46 =	vld [tilespmem:s15+$0x14C70]  }
0x203: {  	v42 =	vadd.f32 v43, v42;
	v43 =	vadd.f32 v45, v44;
	v37 =	vsel vm2, v53, v37;
	v44 =	vld [tilespmem:s15+$0x14C30]  }
0x204: {  	v34 =	vsel vm1, v35, v34;
	v36 =	vsel vm0, v49, v36;
	v37 =	vadd.f32 v37, v39  }
0x205: {  	v35 =	vsub.f32 v42, v38;
	v36 =	vsub.f32 v43, v36;
	v33 =	vsel vm2, v40, v33  }
0x206: {  	v32 =	vsel vm0, v41, v32;
	v33 =	vadd.f32 v33, v34  }
0x207: {  	v34 =	vand.u32 $0x7FFFFFFF, v35;
	v35 =	vand.u32 $0x7FFFFFFF, v36;
	v32 =	vsub.f32 v37, v32  }
0x208: {  	v34 =	vadd.f32 v35, v34;
	v35 =	vsel vm0, v44, v46  }
0x209: {  	v32 =	vand.u32 $0x7FFFFFFF, v32;
	v33 =	vsub.f32 v33, v35  }
0x20a: {  	v32 =	vadd.f32 v32, v34  }
0x20b: {  	v33 =	vand.u32 $0x7FFFFFFF, v33  }
0x20c: {  	v32 =	vadd.f32 v33, v32;
	_ =	sdelay $0x1  }
0x20d: {  	(xrf2) =	vadd.scan.msk.f32 $0xffff, v32;
	_ =	sdelay $0x9  }
0x20e: {  	s26 =	sadd.s32 $0x10, s26;
	v32, _, _ =	vpop (xrf2)  }
0x20f: {  	s15 =	sshra.s32 s14, $0x2;
	[tilespmem:s26+$0x0] =	vst v32  }
0x210: {  	v32 =	vld [tilespmem:s15+$0x14C60]  }
0x211: {  	v34 =	vld [tilespmem:s15+$0x4C70]  }
0x212: {  	v35 =	vld [tilespmem:s15+$0x4C30]  }
0x213: {  	v33 =	vld [tilespmem:s15+$0xCC70]  }
0x214: {  	v38 =	vld [tilespmem:s15+$0x14C40]  }
0x215: {  	v40 =	vld [tilespmem:s15+$0x14C00]  }
0x216: {  	v36 =	vld [tilespmem:s15+$0x14C50]  }
0x217: {  	v39 =	vld [tilespmem:s15+$0x4C60]  }
0x218: {  	v41 =	vld [tilespmem:s15+$0x4C20]  }
.Ltmp3:
0x219: {  	v37 =	vld [tilespmem:s15+$0xCC60];
	(pc) =	sbr.rel @p0 .LBB2_8-.Ltmp3, $4  }
0x21a: {  	s0 =	sadd.s32 $0x1, s0;
	v42 =	vld [tilespmem:s15+$0x4C40]  }
0x21b: {  	v46 =	vmov s0;
	v44 =	vld [tilespmem:s15+$0x4C00]  }
0x21c: {  	v43 =	vld [tilespmem:s15+$0xCC40]  }
0x21d: {  	s14 =	sadd.s32 $0x200, s14;
	v45 =	vld [tilespmem:s15+$0xCC00]  }
0x21e: {  	_ =	sdelay $0x1  }
0x21f: {  	v47 =	vld [tilespmem:s15+$0x4C50]  }
0x220: {  	v48 =	vld [tilespmem:s15+$0x4C10]  }
0x221: {  	v49 =	vld.idx.msk [tilespmem:v46+s18+$0x0], $0xffff  }
0x222: {  	v50 =	vld.idx.msk [tilespmem:v46+s16+$0x0], $0xffff  }
0x223: {  	v62 =	vld.idx.msk [tilespmem:v46+s17+$0x0], $0xffff  }
0x224: {  	v51 =	vld [tilespmem:s15+$0xCC50]  }
0x225: {  	v52 =	vld [tilespmem:s15+$0xCC10]  }
0x226: {  	v53 =	vld [tilespmem:s15+$0xCC20]  }
0x227: {  	v63 =	vld [tilespmem:s15+$0x14C10]  }
0x228: {  	v54 =	vld [tilespmem:s15+$0x14C20];
	vm0 =	veq.s32 v49, $0x0;
	vm1 =	veq.s32 v50, $0x0  }
0x229: {  	v50 =	vld [tilespmem:s15+$0xCC30];
	vm2 =	veq.s32 v62, $0x0;
	v42 =	vsel vm1, v44, v42;
	v39 =	vsel vm1, v41, v39  }
0x22a: {  	v57 =	vld [tilespmem:s15+$0x14C70];
	v43 =	vsel vm2, v45, v43;
	v55 =	vsel vm1, v48, v47;
	v56 =	vsel vm2, v52, v51  }
0x22b: {  	v59 =	vld [tilespmem:s15+$0x14C30];
	v37 =	vsel vm2, v53, v37;
	v42 =	vadd.f32 v43, v42;
	v58 =	vadd.f32 v56, v55  }
0x22c: {  	v38 =	vsel vm0, v40, v38;
	v36 =	vsel vm0, v63, v36;
	v37 =	vadd.f32 v37, v39  }
0x22d: {  	v32 =	vsel vm0, v54, v32;
	v60 =	vsub.f32 v42, v38;
	v36 =	vsub.f32 v58, v36  }
0x22e: {  	v34 =	vsel vm1, v35, v34;
	v32 =	vsub.f32 v37, v32;
	v33 =	vsel vm2, v50, v33  }
0x22f: {  	v33 =	vadd.f32 v33, v34;
	v61 =	vand.u32 $0x7FFFFFFF, v60;
	v62 =	vand.u32 $0x7FFFFFFF, v36  }
0x230: {  	v63 =	vsel vm0, v59, v57;
	v34 =	vadd.f32 v62, v61  }
0x231: {  	v32 =	vand.u32 $0x7FFFFFFF, v32;
	v33 =	vsub.f32 v33, v63  }
0x232: {  	v32 =	vadd.f32 v32, v34  }
0x233: {  	v33 =	vand.u32 $0x7FFFFFFF, v33  }
0x234: {  	v32 =	vadd.f32 v33, v32;
	_ =	sdelay $0x1  }
0x235: {  	(xrf2) =	vadd.scan.msk.f32 $0xffff, v32;
	_ =	sdelay $0x9  }
0x236: {  	s0 =	sadd.s32 $0x10, s26;
	v32, _, _ =	vpop (xrf2)  }
0x237: {  	[tilespmem:s0+$0x0] =	vst v32  }
0x238: {  	v32 =	vld.idx.msk [tilespmem:v0+s31+$0x0], $0xffff;
	_ =	sdelay $0x4  }
0x239: {  	v32 =	vsub.f32 $1.200000000e+01, v32;
	_ =	sdelay $0x1  }
0x23a: {  	[tilespmem:$0x1AC00] =	vst v32  }
0x23b: {  	v32 =	vld.idx.msk [tilespmem:v1+s31+$0x0], $0xffff;
	_ =	sdelay $0x4  }
0x23c: {  	v32 =	vsub.f32 $1.200000000e+01, v32;
	_ =	sdelay $0x1  }
0x23d: {  	[tilespmem:$0x1AC10] =	vst v32  }
0x23e: {  	v32 =	vld.idx.msk [tilespmem:v2+s31+$0x0], $0xffff;
	_ =	sdelay $0x4  }
0x23f: {  	v32 =	vsub.f32 $1.200000000e+01, v32;
	_ =	sdelay $0x1  }
0x240: {  	[tilespmem:$0x1AC20] =	vst v32  }
0x241: {  	v32 =	vld.idx.msk [tilespmem:v3+s31+$0x0], $0xffff;
	_ =	sdelay $0x4  }
0x242: {  	v32 =	vsub.f32 $1.200000000e+01, v32;
	_ =	sdelay $0x1  }
0x243: {  	[tilespmem:$0x1AC30] =	vst v32  }
0x244: {  	v32 =	vld.idx.msk [tilespmem:v4+s31+$0x0], $0xffff;
	_ =	sdelay $0x4  }
0x245: {  	v32 =	vsub.f32 $1.200000000e+01, v32;
	_ =	sdelay $0x1  }
0x246: {  	[tilespmem:$0x1AC40] =	vst v32  }
0x247: {  	v32 =	vld.idx.msk [tilespmem:v5+s31+$0x0], $0xffff;
	_ =	sdelay $0x4  }
0x248: {  	v32 =	vsub.f32 $1.200000000e+01, v32;
	_ =	sdelay $0x1  }
0x249: {  	[tilespmem:$0x1AC50] =	vst v32  }
0x24a: {  	v32 =	vld.idx.msk [tilespmem:v6+s31+$0x0], $0xffff;
	_ =	sdelay $0x4  }
0x24b: {  	v32 =	vsub.f32 $1.200000000e+01, v32;
	_ =	sdelay $0x1  }
0x24c: {  	[tilespmem:$0x1AC60] =	vst v32  }
0x24d: {  	v32 =	vld.idx.msk [tilespmem:v7+s31+$0x0], $0xffff;
	_ =	sdelay $0x4  }
0x24e: {  	v32 =	vsub.f32 $1.200000000e+01, v32;
	_ =	sdelay $0x1  }
0x24f: {  	[tilespmem:$0x1AC70] =	vst v32  }
0x250: {  	v32 =	vld.idx.msk [tilespmem:v8+s31+$0x0], $0xffff;
	_ =	sdelay $0x4  }
0x251: {  	v32 =	vsub.f32 $1.200000000e+01, v32;
	_ =	sdelay $0x1  }
0x252: {  	[tilespmem:$0x1AC80] =	vst v32  }
0x253: {  	v32 =	vld.idx.msk [tilespmem:v9+s31+$0x0], $0xffff;
	_ =	sdelay $0x4  }
0x254: {  	v32 =	vsub.f32 $1.200000000e+01, v32;
	_ =	sdelay $0x1  }
0x255: {  	[tilespmem:$0x1AC90] =	vst v32  }
0x256: {  	v32 =	vld.idx.msk [tilespmem:v10+s31+$0x0], $0xffff;
	_ =	sdelay $0x4  }
0x257: {  	v32 =	vsub.f32 $1.200000000e+01, v32;
	_ =	sdelay $0x1  }
0x258: {  	[tilespmem:$0x1ACA0] =	vst v32  }
0x259: {  	v32 =	vld.idx.msk [tilespmem:v11+s31+$0x0], $0xffff;
	_ =	sdelay $0x4  }
0x25a: {  	v32 =	vsub.f32 $1.200000000e+01, v32;
	_ =	sdelay $0x1  }
0x25b: {  	[tilespmem:$0x1ACB0] =	vst v32  }
0x25c: {  	v32 =	vld.idx.msk [tilespmem:v12+s31+$0x0], $0xffff;
	_ =	sdelay $0x4  }
0x25d: {  	v32 =	vsub.f32 $1.200000000e+01, v32;
	_ =	sdelay $0x1  }
0x25e: {  	[tilespmem:$0x1ACC0] =	vst v32  }
0x25f: {  	v32 =	vld.idx.msk [tilespmem:v13+s31+$0x0], $0xffff;
	_ =	sdelay $0x4  }
0x260: {  	v32 =	vsub.f32 $1.200000000e+01, v32;
	_ =	sdelay $0x1  }
0x261: {  	[tilespmem:$0x1ACD0] =	vst v32  }
0x262: {  	v32 =	vld.idx.msk [tilespmem:v14+s31+$0x0], $0xffff;
	_ =	sdelay $0x4  }
0x263: {  	v32 =	vsub.f32 $1.200000000e+01, v32;
	_ =	sdelay $0x1  }
0x264: {  	[tilespmem:$0x1ACE0] =	vst v32  }
0x265: {  	v32 =	vld.idx.msk [tilespmem:v15+s31+$0x0], $0xffff;
	_ =	sdelay $0x4  }
0x266: {  	v32 =	vsub.f32 $1.200000000e+01, v32;
	_ =	sdelay $0x1  }
0x267: {  	[tilespmem:$0x1ACF0] =	vst v32  }
0x268: {  	v32 =	vld.idx.msk [tilespmem:v16+s31+$0x0], $0xffff;
	_ =	sdelay $0x4  }
0x269: {  	v32 =	vsub.f32 $1.200000000e+01, v32;
	_ =	sdelay $0x1  }
0x26a: {  	[tilespmem:$0x1AD00] =	vst v32  }
0x26b: {  	v32 =	vld.idx.msk [tilespmem:v17+s31+$0x0], $0xffff;
	_ =	sdelay $0x4  }
0x26c: {  	v32 =	vsub.f32 $1.200000000e+01, v32;
	_ =	sdelay $0x1  }
0x26d: {  	[tilespmem:$0x1AD10] =	vst v32  }
0x26e: {  	v32 =	vld.idx.msk [tilespmem:v18+s31+$0x0], $0xffff;
	_ =	sdelay $0x4  }
0x26f: {  	v32 =	vsub.f32 $1.200000000e+01, v32;
	_ =	sdelay $0x1  }
0x270: {  	[tilespmem:$0x1AD20] =	vst v32  }
0x271: {  	v32 =	vld.idx.msk [tilespmem:v19+s31+$0x0], $0xffff;
	_ =	sdelay $0x4  }
0x272: {  	v32 =	vsub.f32 $1.200000000e+01, v32;
	_ =	sdelay $0x1  }
0x273: {  	[tilespmem:$0x1AD30] =	vst v32  }
0x274: {  	v32 =	vld.idx.msk [tilespmem:v20+s31+$0x0], $0xffff;
	_ =	sdelay $0x4  }
0x275: {  	v32 =	vsub.f32 $1.200000000e+01, v32;
	_ =	sdelay $0x1  }
0x276: {  	[tilespmem:$0x1AD40] =	vst v32  }
0x277: {  	v32 =	vld.idx.msk [tilespmem:v21+s31+$0x0], $0xffff;
	_ =	sdelay $0x4  }
0x278: {  	v32 =	vsub.f32 $1.200000000e+01, v32;
	_ =	sdelay $0x1  }
0x279: {  	[tilespmem:$0x1AD50] =	vst v32  }
0x27a: {  	v32 =	vld.idx.msk [tilespmem:v22+s31+$0x0], $0xffff;
	_ =	sdelay $0x4  }
0x27b: {  	v32 =	vsub.f32 $1.200000000e+01, v32;
	_ =	sdelay $0x1  }
0x27c: {  	[tilespmem:$0x1AD60] =	vst v32  }
0x27d: {  	v32 =	vld.idx.msk [tilespmem:v23+s31+$0x0], $0xffff;
	_ =	sdelay $0x4  }
0x27e: {  	v32 =	vsub.f32 $1.200000000e+01, v32;
	_ =	sdelay $0x1  }
0x27f: {  	[tilespmem:$0x1AD70] =	vst v32  }
0x280: {  	v32 =	vld.idx.msk [tilespmem:v24+s31+$0x0], $0xffff;
	_ =	sdelay $0x4  }
0x281: {  	v32 =	vsub.f32 $1.200000000e+01, v32;
	_ =	sdelay $0x1  }
0x282: {  	[tilespmem:$0x1AD80] =	vst v32  }
0x283: {  	v32 =	vld.idx.msk [tilespmem:v25+s31+$0x0], $0xffff;
	_ =	sdelay $0x4  }
0x284: {  	v32 =	vsub.f32 $1.200000000e+01, v32;
	_ =	sdelay $0x1  }
0x285: {  	[tilespmem:$0x1AD90] =	vst v32  }
0x286: {  	v32 =	vld.idx.msk [tilespmem:v26+s31+$0x0], $0xffff;
	_ =	sdelay $0x4  }
0x287: {  	v32 =	vsub.f32 $1.200000000e+01, v32;
	_ =	sdelay $0x1  }
0x288: {  	[tilespmem:$0x1ADA0] =	vst v32  }
0x289: {  	v32 =	vld.idx.msk [tilespmem:v27+s31+$0x0], $0xffff;
	_ =	sdelay $0x4  }
0x28a: {  	v32 =	vsub.f32 $1.200000000e+01, v32;
	_ =	sdelay $0x1  }
0x28b: {  	[tilespmem:$0x1ADB0] =	vst v32  }
0x28c: {  	v32 =	vld.idx.msk [tilespmem:v28+s31+$0x0], $0xffff;
	_ =	sdelay $0x4  }
0x28d: {  	v32 =	vsub.f32 $1.200000000e+01, v32;
	_ =	sdelay $0x1  }
0x28e: {  	[tilespmem:$0x1ADC0] =	vst v32  }
0x28f: {  	v32 =	vld.idx.msk [tilespmem:v29+s31+$0x0], $0xffff;
	_ =	sdelay $0x4  }
0x290: {  	v32 =	vsub.f32 $1.200000000e+01, v32;
	_ =	sdelay $0x1  }
0x291: {  	[tilespmem:$0x1ADD0] =	vst v32  }
0x292: {  	v32 =	vld.idx.msk [tilespmem:v30+s31+$0x0], $0xffff;
	_ =	sdelay $0x4  }
0x293: {  	v32 =	vsub.f32 $1.200000000e+01, v32;
	_ =	sdelay $0x1  }
0x294: {  	[tilespmem:$0x1ADE0] =	vst v32  }
0x295: {  	v32 =	vld.idx.msk [tilespmem:v31+s31+$0x0], $0xffff;
	_ =	sdelay $0x4  }
0x296: {  	s24 =	sadd.s32 $0x1, s24;
	v32 =	vsub.f32 $1.200000000e+01, v32  }
0x297: {  	p0 =	sne.s32 s24, s12  }
.Ltmp4:
0x298: {  	s30 =	simm.s32 $0x1AC00;
	[tilespmem:$0x1ADF0] =	vst v32;
	(pc) =	sbr.rel @p0 .LBB2_1-.Ltmp4, $4  }
0x299: {  	[hbm4b:s11+s2] =	stream.linear.scatter [tilespmem:s30], [sflag:$0x3], $0x200, $0x38;
	[tilespmem:$0x1AE00] =	vst v63  }
0x29a: {  	_ =	swait.ge [sflag:s13], $0x200  }
0x29b: {  	[sflag:s13] =	ssyncset.done $0x0  }
0x29c: {  	[sflag:s13] =	ssyncadd.s32 $0xFFFFFE00  }
0x29d: {  	_ =	sfence.sel $0x180000  }
0x29e: {  	[bflag:$0x0] =	sbarrier.arrive $0xFFFF  }
0x29f: {  	_ =	strace $0x90000047  }
0x2a0: {  	s0 =	stileid.u32;
	[bflag:$0x2] =	sbarrier.arrive $0xFFFF  }
0x2a1: {  	p0 =	sne.s32 s0, $0x0;
	s0 =	rddreg [dreg:$0x2]  }
0x2a2: {  	s0 =	sadd.s32 @!p0 $0x100000, s0  }
0x2a3: {  	[sflag:s0] =	ssyncadd.tile.s32 @!p0 $0x1;
	_ =	shalt  }
.Lfunc_end2:
_tile_overlayer_lowered:
.L_overlay_start_2:
0x2a4: {  	(tag) =	ssettag $0x2  }
0x2a5: {  	s0 =	rddreg [dreg:$0x0];
	s2 =	stileid.u32  }
0x2a6: {  	s1 =	rddreg [dreg:$0x1];
	p0 =	sne.s32 s2, $0x0  }
0x2a7: {  	s3 =	rddreg [dreg:$0x2];
	[bflag:$0x3] =	sbarrier.arrive $0xFFFF;
	s2 =	simm.s32 @!p0 $0x1C03  }
0x2a8: {  	[timem:s3], [sflag:s2] =	dma.local @!p0 [hbm:s0], s1  }
0x2a9: {  	s0 =	simm.s32 @!p0 $0x3  }
0x2aa: {  	_ =	swait.ge @!p0 [sflag:s0], s1  }
0x2ab: {  	s1 =	ssub.s32 @!p0 $0x0, s1;
	[sflag:s0] =	ssyncset.done @!p0 $0x0  }
0x2ac: {  	[sflag:s0] =	ssyncadd.s32 @!p0 s1  }
0x2ad: {  	[bflag:$0x3] =	sbarrier.arrive $0xFFFF  }
0x2ae: {  	_ =	shalt  }

</sc_bundles>
